<compile_context>
chip_gen: v7x
topology: tpu7x:2x2x1
jax: 0.10.2.dev20260603
libtpu: 0.0.44.dev20260713+nightly
codegen_flags: <defaults>
</compile_context>

<pallas_src>
import functools

import jax
import jax.numpy as jnp
from jax import lax
from jax.experimental import pallas as pl
from jax.experimental.pallas import tpu as pltpu
from jax.experimental.pallas import tpu_sc as plsc

_VOCAB = 1000000
_D = 32
_B = 4096
_L = 200
_NC = 2
_NS = 16
_NW = _NC * _NS
_SPW = _B // _NW
_BLKV = 65536
_VPAD = 1001472
_GRID = (_VPAD + _BLKV - 1) // _BLKV


def _mv_body(tT_ref, w_ref, p_ref):
    p_ref[...] = jnp.sum(tT_ref[...] * w_ref[...], axis=0)


def _matvec(tT, w2):
    return pl.pallas_call(
        _mv_body,
        grid=(_GRID,),
        in_specs=[
            pl.BlockSpec((_D, _BLKV), lambda i: (0, i)),
            pl.BlockSpec((_D, 1), lambda i: (0, 0)),
        ],
        out_specs=pl.BlockSpec((_BLKV,), lambda i: (i,)),
        out_shape=jax.ShapeDtypeStruct((_VPAD,), jnp.float32),
        compiler_params=pltpu.CompilerParams(
            dimension_semantics=("arbitrary",),
        ),
    )(tT, w2)


_PSLICE = _VPAD // 16


def _sc_body(tokT_hbm, p_hbm, b_hbm, out_hbm,
             p_sh, idx_v, vals_v, out_v, b_v, sem, psem):
    cid = lax.axis_index("c")
    sid = lax.axis_index("s")
    wid = sid * _NC + cid

    off = sid * _PSLICE
    pcopy = pltpu.async_copy(p_hbm.at[pl.ds(off, _PSLICE)],
                             p_sh.at[pl.ds(off, _PSLICE)], psem)
    pltpu.sync_copy(b_hbm, b_v)
    col = wid * _SPW
    pltpu.sync_copy(tokT_hbm.at[:, pl.ds(col, _SPW)], idx_v)
    pcopy.wait()
    plsc.subcore_barrier()

    bias = b_v[pl.ds(0, 16)][0]
    nch = 4
    cl = _L // nch

    def fire_chunk(c, s):
        def fire(t, cc):
            pltpu.async_copy(p_sh.at[idx_v.at[t]], vals_v.at[t], s)
            return cc
        lax.fori_loop(c * cl, (c + 1) * cl, fire, 0)

    def wait_chunk(s):
        def drain(t, cc):
            pltpu.make_async_copy(
                p_sh.at[idx_v.at[0]], vals_v.at[0], s).wait()
            return cc
        lax.fori_loop(0, cl, drain, 0)

    def accum_chunk(c, acc):
        def tok_body(t, a):
            return tuple(
                a[g] + vals_v[t, pl.ds(16 * g, 16)]
                for g in range(_SPW // 16)
            )
        return lax.fori_loop(c * cl, (c + 1) * cl, tok_body, acc)

    sems = (sem, psem)
    fire_chunk(0, sems[0])
    fire_chunk(1, sems[1])
    acc = (jnp.zeros((16,), jnp.float32),) * (_SPW // 16)
    for c in range(nch):
        wait_chunk(sems[c % 2])
        if c + 2 < nch:
            fire_chunk(c + 2, sems[c % 2])
        acc = accum_chunk(c, acc)
    for g in range(_SPW // 16):
        out_v[pl.ds(16 * g, 16)] = acc[g] + bias
    pltpu.sync_copy(out_v, out_hbm.at[pl.ds(col, _SPW)])


def _sc_gather(tokT, p, b16):
    mesh = plsc.VectorSubcoreMesh(core_axis_name="c", subcore_axis_name="s")
    run = functools.partial(
        pl.kernel,
        mesh=mesh,
        out_type=jax.ShapeDtypeStruct((_B,), jnp.float32),
        scratch_types=[
            pltpu.VMEM_SHARED((_VPAD,), jnp.float32),
            pltpu.VMEM((_L, _SPW), jnp.int32),
            pltpu.VMEM((_L, _SPW), jnp.float32),
            pltpu.VMEM((_SPW,), jnp.float32),
            pltpu.VMEM((128,), jnp.float32),
            pltpu.SemaphoreType.DMA,
            pltpu.SemaphoreType.DMA,
        ],
        compiler_params=pltpu.CompilerParams(
            needs_layout_passes=False, use_tc_tiling_on_sc=True),
    )(_sc_body)
    return run(tokT, p, b16)


def kernel(token_ids, embedding_table, W, b):
    tT = embedding_table.T
    tokT = token_ids.T
    w2 = (W * (1.0 / _L)).astype(jnp.float32)
    b16 = jnp.broadcast_to(b, (128,)).astype(jnp.float32)
    p = _matvec(tT, w2)
    out = _sc_gather(tokT, p, b16)
    return out.reshape(_B, 1)

# --- scband reference (transcript-rebuilt; emitter-appended) ---
"""Pipeline reference for scband-mean-embedding-classifier-73452530696632 (READ-ONLY COPY).

The authoritative reference and input builder live on the scoring server;
editing this copy changes nothing except your own understanding.
"""

import jax, jax.numpy as jnp
import numpy as np

VOCAB = 1000000
EMBED_DIM = 32
BATCH = 4096
SEQ_LEN = 200

def setup_inputs(seed: int = 0) -> dict:
    key = jax.random.key(seed)
    k1, k2, k3, k4 = jax.random.split(key, 4)
    token_ids = jax.random.randint(k1, (BATCH, SEQ_LEN), 0, VOCAB, dtype=jnp.int64 if jax.config.jax_enable_x64 else jnp.int32)
    embedding_table = jax.random.normal(k2, (VOCAB, EMBED_DIM), dtype=jnp.float32) * 0.02
    W = jax.random.normal(k3, (EMBED_DIM, 1), dtype=jnp.float32) * (1.0 / np.sqrt(EMBED_DIM))
    b = jnp.zeros((1,), dtype=jnp.float32)
    return {"token_ids": token_ids, "embedding_table": embedding_table, "W": W, "b": b}

def reference(token_ids, embedding_table, W, b):
    # embedding lookup: gather rows of the table
    embedded_tokens = jnp.take(embedding_table, token_ids, axis=0)  # [B, L, D]
    sentence_embeddings = embedded_tokens.mean(axis=1)              # [B, D]
    logits = sentence_embeddings @ W + b                            # [B, 1]
    return logits

if __name__ == "__main__":
    import jax
    _d = setup_inputs()
    print(jax.jit(kernel)(*tuple(_d.values())))

</pallas_src>

<mosaic_0001>
#map = affine_map<(d0, d1) -> (0, 0)>
#map1 = affine_map<(d0, d1) -> (0)>
module attributes {stable_mosaic.version = 14 : i64} {
  func.func @_sc_body(%arg0: i32, %arg1: i32, %arg2: memref<200x4096xi32, #tpu.memory_space<hbm>>, %arg3: memref<1001472xf32, #tpu.memory_space<hbm>>, %arg4: memref<128xf32, #tpu.memory_space<hbm>>, %arg5: memref<4096xf32, #tpu.memory_space<hbm>>, %arg6: memref<1001472xf32, #tpu.memory_space<vmem_shared>>, %arg7: memref<200x128xi32, #tpu.memory_space<vmem>>, %arg8: memref<200x128xf32, #tpu.memory_space<vmem>>, %arg9: memref<128xf32, #tpu.memory_space<vmem>>, %arg10: memref<128xf32, #tpu.memory_space<vmem>>, %arg11: memref<!tpu.dma_semaphore, #tpu.memory_space<semaphore_mem>>, %arg12: memref<!tpu.dma_semaphore, #tpu.memory_space<semaphore_mem>>) attributes {dimension_semantics = [#tpu.dimension_semantics<core_parallel>, #tpu.dimension_semantics<subcore_parallel>], iteration_bounds = array<i64: 2, 16>, scalar_prefetch = 0 : i64, scratch_operands = 7 : i64, tpu.core_type = #tpu.core_type<sc_vector_subcore>, window_params = [{transform_indices = #map}, {transform_indices = #map1}, {transform_indices = #map1}, {transform_indices = #map1}]} {
    %mul3A = arith.constant 2 : i32
    %mul3A_0 = arith.muli %arg1, %mul3A : i32
    %add3A = arith.addi %mul3A_0, %arg0 : i32
    %mul3A_1 = arith.constant 62592 : i32
    %mul3A_2 = arith.muli %arg1, %mul3A_1 : i32
    %dma_start3A = tpu.memref_slice %arg6[%mul3A_2] : memref<1001472xf32, #tpu.memory_space<vmem_shared>> -> memref<62592xf32, #tpu.memory_space<vmem_shared>>
    %dma_start3A_3 = tpu.memref_slice %arg3[%mul3A_2] : memref<1001472xf32, #tpu.memory_space<hbm>> -> memref<62592xf32, #tpu.memory_space<hbm>>
    tpu.enqueue_dma source(%dma_start3A_3 : memref<62592xf32, #tpu.memory_space<hbm>>) target(%dma_start3A : memref<62592xf32, #tpu.memory_space<vmem_shared>>) target_semaphore(%arg12 : memref<!tpu.dma_semaphore, #tpu.memory_space<semaphore_mem>>)
    "tpu.region"() ({
      %run_scoped3A = tpu.sem_alloc : memref<!tpu.dma_semaphore, #tpu.memory_space<semaphore_mem>>
      tpu.enqueue_dma source(%arg4 : memref<128xf32, #tpu.memory_space<hbm>>) target(%arg10 : memref<128xf32, #tpu.memory_space<vmem>>) target_semaphore(%run_scoped3A : memref<!tpu.dma_semaphore, #tpu.memory_space<semaphore_mem>>)
      tpu.wait_dma2 semaphore(%run_scoped3A : memref<!tpu.dma_semaphore, #tpu.memory_space<semaphore_mem>>) src(%arg4 : memref<128xf32, #tpu.memory_space<hbm>>) dst(%arg10 : memref<128xf32, #tpu.memory_space<vmem>>)
      tpu.yield
    }) : () -> ()
    %mul3A_4 = arith.constant 128 : i32
    %mul3A_5 = arith.muli %add3A, %mul3A_4 : i32
    "tpu.region"() ({
      %run_scoped3A = tpu.sem_alloc : memref<!tpu.dma_semaphore, #tpu.memory_space<semaphore_mem>>
      %dma_start3A_111 = arith.constant 0 : i32
      %dma_start3A_112 = tpu.memref_slice %arg2[%dma_start3A_111, %mul3A_5] : memref<200x4096xi32, #tpu.memory_space<hbm>> -> memref<200x128xi32, #tpu.memory_space<hbm>>
      %dma_start3A_113 = arith.constant 0 : i32
      %dma_start3A_114 = tpu.memref_slice %arg2[%dma_start3A_113, %mul3A_5] : memref<200x4096xi32, #tpu.memory_space<hbm>> -> memref<200x128xi32, #tpu.memory_space<hbm>>
      tpu.enqueue_dma source(%dma_start3A_114 : memref<200x128xi32, #tpu.memory_space<hbm>>) target(%arg7 : memref<200x128xi32, #tpu.memory_space<vmem>>) target_semaphore(%run_scoped3A : memref<!tpu.dma_semaphore, #tpu.memory_space<semaphore_mem>>)
      %dma_wait3A_115 = arith.constant 0 : i32
      %dma_wait3A_116 = tpu.memref_slice %arg2[%dma_wait3A_115, %mul3A_5] : memref<200x4096xi32, #tpu.memory_space<hbm>> -> memref<200x128xi32, #tpu.memory_space<hbm>>
      %dma_wait3A_117 = arith.constant 0 : i32
      %dma_wait3A_118 = tpu.memref_slice %arg2[%dma_wait3A_117, %mul3A_5] : memref<200x4096xi32, #tpu.memory_space<hbm>> -> memref<200x128xi32, #tpu.memory_space<hbm>>
      tpu.wait_dma2 semaphore(%run_scoped3A : memref<!tpu.dma_semaphore, #tpu.memory_space<semaphore_mem>>) src(%dma_wait3A_118 : memref<200x128xi32, #tpu.memory_space<hbm>>) dst(%arg7 : memref<200x128xi32, #tpu.memory_space<vmem>>)
      tpu.yield
    }) : () -> ()
    %dma_wait3A = tpu.memref_slice %arg6[%mul3A_2] : memref<1001472xf32, #tpu.memory_space<vmem_shared>> -> memref<62592xf32, #tpu.memory_space<vmem_shared>>
    %dma_wait3A_6 = tpu.memref_slice %arg3[%mul3A_2] : memref<1001472xf32, #tpu.memory_space<hbm>> -> memref<62592xf32, #tpu.memory_space<hbm>>
    tpu.wait_dma2 semaphore(%arg12 : memref<!tpu.dma_semaphore, #tpu.memory_space<semaphore_mem>>) src(%dma_wait3A_6 : memref<62592xf32, #tpu.memory_space<hbm>>) dst(%dma_wait3A : memref<62592xf32, #tpu.memory_space<vmem_shared>>)
    %barrier3A = arith.constant 0 : index
    tpu.barrier barrier_id(%barrier3A)
    %get3A = arith.constant 0 : index
    %get3A_7 = tpu.vector_load %arg10[%get3A] {strides = array<i32>} : memref<128xf32, #tpu.memory_space<vmem>>, vector<16xf32>,
    %slice3A = vector.extract_strided_slice %get3A_7 {offsets = [0], sizes = [1], strides = [1]} : vector<16xf32> to vector<1xf32>
    %squeeze3A = vector.extract %slice3A[0] : f32 from vector<1xf32>
    %scan3A = arith.constant 0 : i32
    %scan3A_8 = arith.constant 0 : i32
    %scan3A_9 = arith.constant 50 : i32
    %scan3A_10 = arith.addi %scan3A_8, %scan3A_9 : i32
    %scan3A_11 = arith.constant 1 : i32
    scf.for %scan3A_111 = %scan3A_8 to %scan3A_10 step %scan3A_11  : i32 {
      %dma_start3A_112 = arith.constant 0 : i32
      %dma_start3A_113 = tpu.memref_slice %arg8[%scan3A_111, %dma_start3A_112] : memref<200x128xf32, #tpu.memory_space<vmem>> -> memref<1x128xf32, #tpu.memory_space<vmem>>
      %dma_start3A_114 = tpu.memref_squeeze %dma_start3A_113 : memref<1x128xf32, #tpu.memory_space<vmem>> -> memref<128xf32, #tpu.memory_space<vmem>>
      %dma_start3A_115 = arith.constant 0 : i32
      %dma_start3A_116 = tpu.memref_slice %arg7[%scan3A_111, %dma_start3A_115] : memref<200x128xi32, #tpu.memory_space<vmem>> -> memref<1x128xi32, #tpu.memory_space<vmem>>
      %dma_start3A_117 = tpu.memref_squeeze %dma_start3A_116 : memref<1x128xi32, #tpu.memory_space<vmem>> -> memref<128xi32, #tpu.memory_space<vmem>>
      %dma_start3A_118 = arith.constant 0 : i32
      %dma_start3A_119 = tpu.memref_slice %arg6[%dma_start3A_118] : memref<1001472xf32, #tpu.memory_space<vmem_shared>> -> memref<1001472xf32, #tpu.memory_space<vmem_shared>>
      tpu.enqueue_indirect_dma source(%dma_start3A_119 : memref<1001472xf32, #tpu.memory_space<vmem_shared>>) target(%dma_start3A_114 : memref<128xf32, #tpu.memory_space<vmem>>) offsets(%dma_start3A_117 : memref<128xi32, #tpu.memory_space<vmem>>) semaphore(%arg11 : memref<!tpu.dma_semaphore, #tpu.memory_space<semaphore_mem>>)
    }
    %scan3A_12 = arith.constant 50 : i32
    %scan3A_13 = arith.constant 0 : i32
    %scan3A_14 = arith.constant 50 : i32
    %scan3A_15 = arith.constant 50 : i32
    %scan3A_16 = arith.addi %scan3A_14, %scan3A_15 : i32
    %scan3A_17 = arith.constant 1 : i32
    scf.for %scan3A_111 = %scan3A_14 to %scan3A_16 step %scan3A_17  : i32 {
      %dma_start3A_112 = arith.constant 0 : i32
      %dma_start3A_113 = tpu.memref_slice %arg8[%scan3A_111, %dma_start3A_112] : memref<200x128xf32, #tpu.memory_space<vmem>> -> memref<1x128xf32, #tpu.memory_space<vmem>>
      %dma_start3A_114 = tpu.memref_squeeze %dma_start3A_113 : memref<1x128xf32, #tpu.memory_space<vmem>> -> memref<128xf32, #tpu.memory_space<vmem>>
      %dma_start3A_115 = arith.constant 0 : i32
      %dma_start3A_116 = tpu.memref_slice %arg7[%scan3A_111, %dma_start3A_115] : memref<200x128xi32, #tpu.memory_space<vmem>> -> memref<1x128xi32, #tpu.memory_space<vmem>>
      %dma_start3A_117 = tpu.memref_squeeze %dma_start3A_116 : memref<1x128xi32, #tpu.memory_space<vmem>> -> memref<128xi32, #tpu.memory_space<vmem>>
      %dma_start3A_118 = arith.constant 0 : i32
      %dma_start3A_119 = tpu.memref_slice %arg6[%dma_start3A_118] : memref<1001472xf32, #tpu.memory_space<vmem_shared>> -> memref<1001472xf32, #tpu.memory_space<vmem_shared>>
      tpu.enqueue_indirect_dma source(%dma_start3A_119 : memref<1001472xf32, #tpu.memory_space<vmem_shared>>) target(%dma_start3A_114 : memref<128xf32, #tpu.memory_space<vmem>>) offsets(%dma_start3A_117 : memref<128xi32, #tpu.memory_space<vmem>>) semaphore(%arg12 : memref<!tpu.dma_semaphore, #tpu.memory_space<semaphore_mem>>)
    }
    %scan3A_18 = arith.constant 50 : i32
    %broadcast_in_dim3A = arith.constant 0.000000e+00 : f32
    %broadcast_in_dim3A_19 = vector.broadcast %broadcast_in_dim3A : f32 to vector<16xf32>
    %scan3A_20 = arith.constant 0 : i32
    %scan3A_21 = arith.constant 0 : i32
    %scan3A_22 = arith.constant 50 : i32
    %scan3A_23 = arith.addi %scan3A_21, %scan3A_22 : i32
    %scan3A_24 = arith.constant 1 : i32
    scf.for %scan3A_111 = %scan3A_21 to %scan3A_23 step %scan3A_24  : i32 {
      %dma_wait3A_112 = arith.constant 0 : i32
      %dma_wait3A_113 = arith.constant 0 : i32
      %dma_wait3A_114 = arith.constant 0 : i32
      %dma_wait3A_115 = tpu.memref_slice %arg8[%dma_wait3A_113, %dma_wait3A_114] : memref<200x128xf32, #tpu.memory_space<vmem>> -> memref<1x128xf32, #tpu.memory_space<vmem>>
      %dma_wait3A_116 = tpu.memref_squeeze %dma_wait3A_115 : memref<1x128xf32, #tpu.memory_space<vmem>> -> memref<128xf32, #tpu.memory_space<vmem>>
      %dma_wait3A_117 = arith.constant 0 : i32
      %dma_wait3A_118 = tpu.memref_slice %arg7[%dma_wait3A_112, %dma_wait3A_117] : memref<200x128xi32, #tpu.memory_space<vmem>> -> memref<1x128xi32, #tpu.memory_space<vmem>>
      %dma_wait3A_119 = tpu.memref_squeeze %dma_wait3A_118 : memref<1x128xi32, #tpu.memory_space<vmem>> -> memref<128xi32, #tpu.memory_space<vmem>>
      %dma_wait3A_120 = arith.constant 0 : i32
      %dma_wait3A_121 = tpu.memref_slice %arg6[%dma_wait3A_120] : memref<1001472xf32, #tpu.memory_space<vmem_shared>> -> memref<1001472xf32, #tpu.memory_space<vmem_shared>>
      tpu.wait_indirect_dma semaphore(%arg11 : memref<!tpu.dma_semaphore, #tpu.memory_space<semaphore_mem>>) src(%dma_wait3A_121 : memref<1001472xf32, #tpu.memory_space<vmem_shared>>) dst(%dma_wait3A_116 : memref<128xf32, #tpu.memory_space<vmem>>)
    }
    %scan3A_25 = arith.constant 50 : i32
    %scan3A_26 = arith.constant 0 : i32
    %scan3A_27 = arith.constant 100 : i32
    %scan3A_28 = arith.constant 50 : i32
    %scan3A_29 = arith.addi %scan3A_27, %scan3A_28 : i32
    %scan3A_30 = arith.constant 1 : i32
    scf.for %scan3A_111 = %scan3A_27 to %scan3A_29 step %scan3A_30  : i32 {
      %dma_start3A_112 = arith.constant 0 : i32
      %dma_start3A_113 = tpu.memref_slice %arg8[%scan3A_111, %dma_start3A_112] : memref<200x128xf32, #tpu.memory_space<vmem>> -> memref<1x128xf32, #tpu.memory_space<vmem>>
      %dma_start3A_114 = tpu.memref_squeeze %dma_start3A_113 : memref<1x128xf32, #tpu.memory_space<vmem>> -> memref<128xf32, #tpu.memory_space<vmem>>
      %dma_start3A_115 = arith.constant 0 : i32
      %dma_start3A_116 = tpu.memref_slice %arg7[%scan3A_111, %dma_start3A_115] : memref<200x128xi32, #tpu.memory_space<vmem>> -> memref<1x128xi32, #tpu.memory_space<vmem>>
      %dma_start3A_117 = tpu.memref_squeeze %dma_start3A_116 : memref<1x128xi32, #tpu.memory_space<vmem>> -> memref<128xi32, #tpu.memory_space<vmem>>
      %dma_start3A_118 = arith.constant 0 : i32
      %dma_start3A_119 = tpu.memref_slice %arg6[%dma_start3A_118] : memref<1001472xf32, #tpu.memory_space<vmem_shared>> -> memref<1001472xf32, #tpu.memory_space<vmem_shared>>
      tpu.enqueue_indirect_dma source(%dma_start3A_119 : memref<1001472xf32, #tpu.memory_space<vmem_shared>>) target(%dma_start3A_114 : memref<128xf32, #tpu.memory_space<vmem>>) offsets(%dma_start3A_117 : memref<128xi32, #tpu.memory_space<vmem>>) semaphore(%arg11 : memref<!tpu.dma_semaphore, #tpu.memory_space<semaphore_mem>>)
    }
    %scan3A_31 = arith.constant 50 : i32
    %scan3A_32 = arith.constant 0 : i32
    %scan3A_33 = arith.constant 50 : i32
    %scan3A_34 = arith.addi %scan3A_32, %scan3A_33 : i32
    %scan3A_35 = arith.constant 1 : i32
    %scan3A_36:8 = scf.for %scan3A_111 = %scan3A_32 to %scan3A_34 step %scan3A_35 iter_args(%scan3A_112 = %broadcast_in_dim3A_19, %scan3A_113 = %broadcast_in_dim3A_19, %scan3A_114 = %broadcast_in_dim3A_19, %scan3A_115 = %broadcast_in_dim3A_19, %scan3A_116 = %broadcast_in_dim3A_19, %scan3A_117 = %broadcast_in_dim3A_19, %scan3A_118 = %broadcast_in_dim3A_19, %scan3A_119 = %broadcast_in_dim3A_19) -> (vector<16xf32>, vector<16xf32>, vector<16xf32>, vector<16xf32>, vector<16xf32>, vector<16xf32>, vector<16xf32>, vector<16xf32>)  : i32 {
      %get3A_120 = arith.index_cast %scan3A_111 : i32 to index
      %get3A_121 = arith.constant 0 : index
      %get3A_122 = tpu.vector_load %arg8[%get3A_120, %get3A_121] {strides = array<i32>} : memref<200x128xf32, #tpu.memory_space<vmem>>, vector<16xf32>,
      %add3A_123 = arith.addf %scan3A_112, %get3A_122 : vector<16xf32>
      %get3A_124 = arith.index_cast %scan3A_111 : i32 to index
      %get3A_125 = arith.constant 16 : index
      %get3A_126 = tpu.vector_load %arg8[%get3A_124, %get3A_125] {strides = array<i32>} : memref<200x128xf32, #tpu.memory_space<vmem>>, vector<16xf32>,
      %add3A_127 = arith.addf %scan3A_113, %get3A_126 : vector<16xf32>
      %get3A_128 = arith.index_cast %scan3A_111 : i32 to index
      %get3A_129 = arith.constant 32 : index
      %get3A_130 = tpu.vector_load %arg8[%get3A_128, %get3A_129] {strides = array<i32>} : memref<200x128xf32, #tpu.memory_space<vmem>>, vector<16xf32>,
      %add3A_131 = arith.addf %scan3A_114, %get3A_130 : vector<16xf32>
      %get3A_132 = arith.index_cast %scan3A_111 : i32 to index
      %get3A_133 = arith.constant 48 : index
      %get3A_134 = tpu.vector_load %arg8[%get3A_132, %get3A_133] {strides = array<i32>} : memref<200x128xf32, #tpu.memory_space<vmem>>, vector<16xf32>,
      %add3A_135 = arith.addf %scan3A_115, %get3A_134 : vector<16xf32>
      %get3A_136 = arith.index_cast %scan3A_111 : i32 to index
      %get3A_137 = arith.constant 64 : index
      %get3A_138 = tpu.vector_load %arg8[%get3A_136, %get3A_137] {strides = array<i32>} : memref<200x128xf32, #tpu.memory_space<vmem>>, vector<16xf32>,
      %add3A_139 = arith.addf %scan3A_116, %get3A_138 : vector<16xf32>
      %get3A_140 = arith.index_cast %scan3A_111 : i32 to index
      %get3A_141 = arith.constant 80 : index
      %get3A_142 = tpu.vector_load %arg8[%get3A_140, %get3A_141] {strides = array<i32>} : memref<200x128xf32, #tpu.memory_space<vmem>>, vector<16xf32>,
      %add3A_143 = arith.addf %scan3A_117, %get3A_142 : vector<16xf32>
      %get3A_144 = arith.index_cast %scan3A_111 : i32 to index
      %get3A_145 = arith.constant 96 : index
      %get3A_146 = tpu.vector_load %arg8[%get3A_144, %get3A_145] {strides = array<i32>} : memref<200x128xf32, #tpu.memory_space<vmem>>, vector<16xf32>,
      %add3A_147 = arith.addf %scan3A_118, %get3A_146 : vector<16xf32>
      %get3A_148 = arith.index_cast %scan3A_111 : i32 to index
      %get3A_149 = arith.constant 112 : index
      %get3A_150 = tpu.vector_load %arg8[%get3A_148, %get3A_149] {strides = array<i32>} : memref<200x128xf32, #tpu.memory_space<vmem>>, vector<16xf32>,
      %add3A_151 = arith.addf %scan3A_119, %get3A_150 : vector<16xf32>
      scf.yield %add3A_123, %add3A_127, %add3A_131, %add3A_135, %add3A_139, %add3A_143, %add3A_147, %add3A_151 : vector<16xf32>, vector<16xf32>, vector<16xf32>, vector<16xf32>, vector<16xf32>, vector<16xf32>, vector<16xf32>, vector<16xf32>
    }
    %scan3A_37 = arith.constant 50 : i32
    %scan3A_38 = arith.constant 0 : i32
    %scan3A_39 = arith.constant 0 : i32
    %scan3A_40 = arith.constant 50 : i32
    %scan3A_41 = arith.addi %scan3A_39, %scan3A_40 : i32
    %scan3A_42 = arith.constant 1 : i32
    scf.for %scan3A_111 = %scan3A_39 to %scan3A_41 step %scan3A_42  : i32 {
      %dma_wait3A_112 = arith.constant 0 : i32
      %dma_wait3A_113 = arith.constant 0 : i32
      %dma_wait3A_114 = arith.constant 0 : i32
      %dma_wait3A_115 = tpu.memref_slice %arg8[%dma_wait3A_113, %dma_wait3A_114] : memref<200x128xf32, #tpu.memory_space<vmem>> -> memref<1x128xf32, #tpu.memory_space<vmem>>
      %dma_wait3A_116 = tpu.memref_squeeze %dma_wait3A_115 : memref<1x128xf32, #tpu.memory_space<vmem>> -> memref<128xf32, #tpu.memory_space<vmem>>
      %dma_wait3A_117 = arith.constant 0 : i32
      %dma_wait3A_118 = tpu.memref_slice %arg7[%dma_wait3A_112, %dma_wait3A_117] : memref<200x128xi32, #tpu.memory_space<vmem>> -> memref<1x128xi32, #tpu.memory_space<vmem>>
      %dma_wait3A_119 = tpu.memref_squeeze %dma_wait3A_118 : memref<1x128xi32, #tpu.memory_space<vmem>> -> memref<128xi32, #tpu.memory_space<vmem>>
      %dma_wait3A_120 = arith.constant 0 : i32
      %dma_wait3A_121 = tpu.memref_slice %arg6[%dma_wait3A_120] : memref<1001472xf32, #tpu.memory_space<vmem_shared>> -> memref<1001472xf32, #tpu.memory_space<vmem_shared>>
      tpu.wait_indirect_dma semaphore(%arg12 : memref<!tpu.dma_semaphore, #tpu.memory_space<semaphore_mem>>) src(%dma_wait3A_121 : memref<1001472xf32, #tpu.memory_space<vmem_shared>>) dst(%dma_wait3A_116 : memref<128xf32, #tpu.memory_space<vmem>>)
    }
    %scan3A_43 = arith.constant 50 : i32
    %scan3A_44 = arith.constant 0 : i32
    %scan3A_45 = arith.constant 150 : i32
    %scan3A_46 = arith.constant 50 : i32
    %scan3A_47 = arith.addi %scan3A_45, %scan3A_46 : i32
    %scan3A_48 = arith.constant 1 : i32
    scf.for %scan3A_111 = %scan3A_45 to %scan3A_47 step %scan3A_48  : i32 {
      %dma_start3A_112 = arith.constant 0 : i32
      %dma_start3A_113 = tpu.memref_slice %arg8[%scan3A_111, %dma_start3A_112] : memref<200x128xf32, #tpu.memory_space<vmem>> -> memref<1x128xf32, #tpu.memory_space<vmem>>
      %dma_start3A_114 = tpu.memref_squeeze %dma_start3A_113 : memref<1x128xf32, #tpu.memory_space<vmem>> -> memref<128xf32, #tpu.memory_space<vmem>>
      %dma_start3A_115 = arith.constant 0 : i32
      %dma_start3A_116 = tpu.memref_slice %arg7[%scan3A_111, %dma_start3A_115] : memref<200x128xi32, #tpu.memory_space<vmem>> -> memref<1x128xi32, #tpu.memory_space<vmem>>
      %dma_start3A_117 = tpu.memref_squeeze %dma_start3A_116 : memref<1x128xi32, #tpu.memory_space<vmem>> -> memref<128xi32, #tpu.memory_space<vmem>>
      %dma_start3A_118 = arith.constant 0 : i32
      %dma_start3A_119 = tpu.memref_slice %arg6[%dma_start3A_118] : memref<1001472xf32, #tpu.memory_space<vmem_shared>> -> memref<1001472xf32, #tpu.memory_space<vmem_shared>>
      tpu.enqueue_indirect_dma source(%dma_start3A_119 : memref<1001472xf32, #tpu.memory_space<vmem_shared>>) target(%dma_start3A_114 : memref<128xf32, #tpu.memory_space<vmem>>) offsets(%dma_start3A_117 : memref<128xi32, #tpu.memory_space<vmem>>) semaphore(%arg12 : memref<!tpu.dma_semaphore, #tpu.memory_space<semaphore_mem>>)
    }
    %scan3A_49 = arith.constant 50 : i32
    %scan3A_50 = arith.constant 50 : i32
    %scan3A_51 = arith.constant 50 : i32
    %scan3A_52 = arith.addi %scan3A_50, %scan3A_51 : i32
    %scan3A_53 = arith.constant 1 : i32
    %scan3A_54:8 = scf.for %scan3A_111 = %scan3A_50 to %scan3A_52 step %scan3A_53 iter_args(%scan3A_112 = %scan3A_36#0, %scan3A_113 = %scan3A_36#1, %scan3A_114 = %scan3A_36#2, %scan3A_115 = %scan3A_36#3, %scan3A_116 = %scan3A_36#4, %scan3A_117 = %scan3A_36#5, %scan3A_118 = %scan3A_36#6, %scan3A_119 = %scan3A_36#7) -> (vector<16xf32>, vector<16xf32>, vector<16xf32>, vector<16xf32>, vector<16xf32>, vector<16xf32>, vector<16xf32>, vector<16xf32>)  : i32 {
      %get3A_120 = arith.index_cast %scan3A_111 : i32 to index
      %get3A_121 = arith.constant 0 : index
      %get3A_122 = tpu.vector_load %arg8[%get3A_120, %get3A_121] {strides = array<i32>} : memref<200x128xf32, #tpu.memory_space<vmem>>, vector<16xf32>,
      %add3A_123 = arith.addf %scan3A_112, %get3A_122 : vector<16xf32>
      %get3A_124 = arith.index_cast %scan3A_111 : i32 to index
      %get3A_125 = arith.constant 16 : index
      %get3A_126 = tpu.vector_load %arg8[%get3A_124, %get3A_125] {strides = array<i32>} : memref<200x128xf32, #tpu.memory_space<vmem>>, vector<16xf32>,
      %add3A_127 = arith.addf %scan3A_113, %get3A_126 : vector<16xf32>
      %get3A_128 = arith.index_cast %scan3A_111 : i32 to index
      %get3A_129 = arith.constant 32 : index
      %get3A_130 = tpu.vector_load %arg8[%get3A_128, %get3A_129] {strides = array<i32>} : memref<200x128xf32, #tpu.memory_space<vmem>>, vector<16xf32>,
      %add3A_131 = arith.addf %scan3A_114, %get3A_130 : vector<16xf32>
      %get3A_132 = arith.index_cast %scan3A_111 : i32 to index
      %get3A_133 = arith.constant 48 : index
      %get3A_134 = tpu.vector_load %arg8[%get3A_132, %get3A_133] {strides = array<i32>} : memref<200x128xf32, #tpu.memory_space<vmem>>, vector<16xf32>,
      %add3A_135 = arith.addf %scan3A_115, %get3A_134 : vector<16xf32>
      %get3A_136 = arith.index_cast %scan3A_111 : i32 to index
      %get3A_137 = arith.constant 64 : index
      %get3A_138 = tpu.vector_load %arg8[%get3A_136, %get3A_137] {strides = array<i32>} : memref<200x128xf32, #tpu.memory_space<vmem>>, vector<16xf32>,
      %add3A_139 = arith.addf %scan3A_116, %get3A_138 : vector<16xf32>
      %get3A_140 = arith.index_cast %scan3A_111 : i32 to index
      %get3A_141 = arith.constant 80 : index
      %get3A_142 = tpu.vector_load %arg8[%get3A_140, %get3A_141] {strides = array<i32>} : memref<200x128xf32, #tpu.memory_space<vmem>>, vector<16xf32>,
      %add3A_143 = arith.addf %scan3A_117, %get3A_142 : vector<16xf32>
      %get3A_144 = arith.index_cast %scan3A_111 : i32 to index
      %get3A_145 = arith.constant 96 : index
      %get3A_146 = tpu.vector_load %arg8[%get3A_144, %get3A_145] {strides = array<i32>} : memref<200x128xf32, #tpu.memory_space<vmem>>, vector<16xf32>,
      %add3A_147 = arith.addf %scan3A_118, %get3A_146 : vector<16xf32>
      %get3A_148 = arith.index_cast %scan3A_111 : i32 to index
      %get3A_149 = arith.constant 112 : index
      %get3A_150 = tpu.vector_load %arg8[%get3A_148, %get3A_149] {strides = array<i32>} : memref<200x128xf32, #tpu.memory_space<vmem>>, vector<16xf32>,
      %add3A_151 = arith.addf %scan3A_119, %get3A_150 : vector<16xf32>
      scf.yield %add3A_123, %add3A_127, %add3A_131, %add3A_135, %add3A_139, %add3A_143, %add3A_147, %add3A_151 : vector<16xf32>, vector<16xf32>, vector<16xf32>, vector<16xf32>, vector<16xf32>, vector<16xf32>, vector<16xf32>, vector<16xf32>
    }
    %scan3A_55 = arith.constant 50 : i32
    %scan3A_56 = arith.constant 0 : i32
    %scan3A_57 = arith.constant 0 : i32
    %scan3A_58 = arith.constant 50 : i32
    %scan3A_59 = arith.addi %scan3A_57, %scan3A_58 : i32
    %scan3A_60 = arith.constant 1 : i32
    scf.for %scan3A_111 = %scan3A_57 to %scan3A_59 step %scan3A_60  : i32 {
      %dma_wait3A_112 = arith.constant 0 : i32
      %dma_wait3A_113 = arith.constant 0 : i32
      %dma_wait3A_114 = arith.constant 0 : i32
      %dma_wait3A_115 = tpu.memref_slice %arg8[%dma_wait3A_113, %dma_wait3A_114] : memref<200x128xf32, #tpu.memory_space<vmem>> -> memref<1x128xf32, #tpu.memory_space<vmem>>
      %dma_wait3A_116 = tpu.memref_squeeze %dma_wait3A_115 : memref<1x128xf32, #tpu.memory_space<vmem>> -> memref<128xf32, #tpu.memory_space<vmem>>
      %dma_wait3A_117 = arith.constant 0 : i32
      %dma_wait3A_118 = tpu.memref_slice %arg7[%dma_wait3A_112, %dma_wait3A_117] : memref<200x128xi32, #tpu.memory_space<vmem>> -> memref<1x128xi32, #tpu.memory_space<vmem>>
      %dma_wait3A_119 = tpu.memref_squeeze %dma_wait3A_118 : memref<1x128xi32, #tpu.memory_space<vmem>> -> memref<128xi32, #tpu.memory_space<vmem>>
      %dma_wait3A_120 = arith.constant 0 : i32
      %dma_wait3A_121 = tpu.memref_slice %arg6[%dma_wait3A_120] : memref<1001472xf32, #tpu.memory_space<vmem_shared>> -> memref<1001472xf32, #tpu.memory_space<vmem_shared>>
      tpu.wait_indirect_dma semaphore(%arg11 : memref<!tpu.dma_semaphore, #tpu.memory_space<semaphore_mem>>) src(%dma_wait3A_121 : memref<1001472xf32, #tpu.memory_space<vmem_shared>>) dst(%dma_wait3A_116 : memref<128xf32, #tpu.memory_space<vmem>>)
    }
    %scan3A_61 = arith.constant 50 : i32
    %scan3A_62 = arith.constant 100 : i32
    %scan3A_63 = arith.constant 50 : i32
    %scan3A_64 = arith.addi %scan3A_62, %scan3A_63 : i32
    %scan3A_65 = arith.constant 1 : i32
    %scan3A_66:8 = scf.for %scan3A_111 = %scan3A_62 to %scan3A_64 step %scan3A_65 iter_args(%scan3A_112 = %scan3A_54#0, %scan3A_113 = %scan3A_54#1, %scan3A_114 = %scan3A_54#2, %scan3A_115 = %scan3A_54#3, %scan3A_116 = %scan3A_54#4, %scan3A_117 = %scan3A_54#5, %scan3A_118 = %scan3A_54#6, %scan3A_119 = %scan3A_54#7) -> (vector<16xf32>, vector<16xf32>, vector<16xf32>, vector<16xf32>, vector<16xf32>, vector<16xf32>, vector<16xf32>, vector<16xf32>)  : i32 {
      %get3A_120 = arith.index_cast %scan3A_111 : i32 to index
      %get3A_121 = arith.constant 0 : index
      %get3A_122 = tpu.vector_load %arg8[%get3A_120, %get3A_121] {strides = array<i32>} : memref<200x128xf32, #tpu.memory_space<vmem>>, vector<16xf32>,
      %add3A_123 = arith.addf %scan3A_112, %get3A_122 : vector<16xf32>
      %get3A_124 = arith.index_cast %scan3A_111 : i32 to index
      %get3A_125 = arith.constant 16 : index
      %get3A_126 = tpu.vector_load %arg8[%get3A_124, %get3A_125] {strides = array<i32>} : memref<200x128xf32, #tpu.memory_space<vmem>>, vector<16xf32>,
      %add3A_127 = arith.addf %scan3A_113, %get3A_126 : vector<16xf32>
      %get3A_128 = arith.index_cast %scan3A_111 : i32 to index
      %get3A_129 = arith.constant 32 : index
      %get3A_130 = tpu.vector_load %arg8[%get3A_128, %get3A_129] {strides = array<i32>} : memref<200x128xf32, #tpu.memory_space<vmem>>, vector<16xf32>,
      %add3A_131 = arith.addf %scan3A_114, %get3A_130 : vector<16xf32>
      %get3A_132 = arith.index_cast %scan3A_111 : i32 to index
      %get3A_133 = arith.constant 48 : index
      %get3A_134 = tpu.vector_load %arg8[%get3A_132, %get3A_133] {strides = array<i32>} : memref<200x128xf32, #tpu.memory_space<vmem>>, vector<16xf32>,
      %add3A_135 = arith.addf %scan3A_115, %get3A_134 : vector<16xf32>
      %get3A_136 = arith.index_cast %scan3A_111 : i32 to index
      %get3A_137 = arith.constant 64 : index
      %get3A_138 = tpu.vector_load %arg8[%get3A_136, %get3A_137] {strides = array<i32>} : memref<200x128xf32, #tpu.memory_space<vmem>>, vector<16xf32>,
      %add3A_139 = arith.addf %scan3A_116, %get3A_138 : vector<16xf32>
      %get3A_140 = arith.index_cast %scan3A_111 : i32 to index
      %get3A_141 = arith.constant 80 : index
      %get3A_142 = tpu.vector_load %arg8[%get3A_140, %get3A_141] {strides = array<i32>} : memref<200x128xf32, #tpu.memory_space<vmem>>, vector<16xf32>,
      %add3A_143 = arith.addf %scan3A_117, %get3A_142 : vector<16xf32>
      %get3A_144 = arith.index_cast %scan3A_111 : i32 to index
      %get3A_145 = arith.constant 96 : index
      %get3A_146 = tpu.vector_load %arg8[%get3A_144, %get3A_145] {strides = array<i32>} : memref<200x128xf32, #tpu.memory_space<vmem>>, vector<16xf32>,
      %add3A_147 = arith.addf %scan3A_118, %get3A_146 : vector<16xf32>
      %get3A_148 = arith.index_cast %scan3A_111 : i32 to index
      %get3A_149 = arith.constant 112 : index
      %get3A_150 = tpu.vector_load %arg8[%get3A_148, %get3A_149] {strides = array<i32>} : memref<200x128xf32, #tpu.memory_space<vmem>>, vector<16xf32>,
      %add3A_151 = arith.addf %scan3A_119, %get3A_150 : vector<16xf32>
      scf.yield %add3A_123, %add3A_127, %add3A_131, %add3A_135, %add3A_139, %add3A_143, %add3A_147, %add3A_151 : vector<16xf32>, vector<16xf32>, vector<16xf32>, vector<16xf32>, vector<16xf32>, vector<16xf32>, vector<16xf32>, vector<16xf32>
    }
    %scan3A_67 = arith.constant 50 : i32
    %scan3A_68 = arith.constant 0 : i32
    %scan3A_69 = arith.constant 0 : i32
    %scan3A_70 = arith.constant 50 : i32
    %scan3A_71 = arith.addi %scan3A_69, %scan3A_70 : i32
    %scan3A_72 = arith.constant 1 : i32
    scf.for %scan3A_111 = %scan3A_69 to %scan3A_71 step %scan3A_72  : i32 {
      %dma_wait3A_112 = arith.constant 0 : i32
      %dma_wait3A_113 = arith.constant 0 : i32
      %dma_wait3A_114 = arith.constant 0 : i32
      %dma_wait3A_115 = tpu.memref_slice %arg8[%dma_wait3A_113, %dma_wait3A_114] : memref<200x128xf32, #tpu.memory_space<vmem>> -> memref<1x128xf32, #tpu.memory_space<vmem>>
      %dma_wait3A_116 = tpu.memref_squeeze %dma_wait3A_115 : memref<1x128xf32, #tpu.memory_space<vmem>> -> memref<128xf32, #tpu.memory_space<vmem>>
      %dma_wait3A_117 = arith.constant 0 : i32
      %dma_wait3A_118 = tpu.memref_slice %arg7[%dma_wait3A_112, %dma_wait3A_117] : memref<200x128xi32, #tpu.memory_space<vmem>> -> memref<1x128xi32, #tpu.memory_space<vmem>>
      %dma_wait3A_119 = tpu.memref_squeeze %dma_wait3A_118 : memref<1x128xi32, #tpu.memory_space<vmem>> -> memref<128xi32, #tpu.memory_space<vmem>>
      %dma_wait3A_120 = arith.constant 0 : i32
      %dma_wait3A_121 = tpu.memref_slice %arg6[%dma_wait3A_120] : memref<1001472xf32, #tpu.memory_space<vmem_shared>> -> memref<1001472xf32, #tpu.memory_space<vmem_shared>>
      tpu.wait_indirect_dma semaphore(%arg12 : memref<!tpu.dma_semaphore, #tpu.memory_space<semaphore_mem>>) src(%dma_wait3A_121 : memref<1001472xf32, #tpu.memory_space<vmem_shared>>) dst(%dma_wait3A_116 : memref<128xf32, #tpu.memory_space<vmem>>)
    }
    %scan3A_73 = arith.constant 50 : i32
    %scan3A_74 = arith.constant 150 : i32
    %scan3A_75 = arith.constant 50 : i32
    %scan3A_76 = arith.addi %scan3A_74, %scan3A_75 : i32
    %scan3A_77 = arith.constant 1 : i32
    %scan3A_78:8 = scf.for %scan3A_111 = %scan3A_74 to %scan3A_76 step %scan3A_77 iter_args(%scan3A_112 = %scan3A_66#0, %scan3A_113 = %scan3A_66#1, %scan3A_114 = %scan3A_66#2, %scan3A_115 = %scan3A_66#3, %scan3A_116 = %scan3A_66#4, %scan3A_117 = %scan3A_66#5, %scan3A_118 = %scan3A_66#6, %scan3A_119 = %scan3A_66#7) -> (vector<16xf32>, vector<16xf32>, vector<16xf32>, vector<16xf32>, vector<16xf32>, vector<16xf32>, vector<16xf32>, vector<16xf32>)  : i32 {
      %get3A_120 = arith.index_cast %scan3A_111 : i32 to index
      %get3A_121 = arith.constant 0 : index
      %get3A_122 = tpu.vector_load %arg8[%get3A_120, %get3A_121] {strides = array<i32>} : memref<200x128xf32, #tpu.memory_space<vmem>>, vector<16xf32>,
      %add3A_123 = arith.addf %scan3A_112, %get3A_122 : vector<16xf32>
      %get3A_124 = arith.index_cast %scan3A_111 : i32 to index
      %get3A_125 = arith.constant 16 : index
      %get3A_126 = tpu.vector_load %arg8[%get3A_124, %get3A_125] {strides = array<i32>} : memref<200x128xf32, #tpu.memory_space<vmem>>, vector<16xf32>,
      %add3A_127 = arith.addf %scan3A_113, %get3A_126 : vector<16xf32>
      %get3A_128 = arith.index_cast %scan3A_111 : i32 to index
      %get3A_129 = arith.constant 32 : index
      %get3A_130 = tpu.vector_load %arg8[%get3A_128, %get3A_129] {strides = array<i32>} : memref<200x128xf32, #tpu.memory_space<vmem>>, vector<16xf32>,
      %add3A_131 = arith.addf %scan3A_114, %get3A_130 : vector<16xf32>
      %get3A_132 = arith.index_cast %scan3A_111 : i32 to index
      %get3A_133 = arith.constant 48 : index
      %get3A_134 = tpu.vector_load %arg8[%get3A_132, %get3A_133] {strides = array<i32>} : memref<200x128xf32, #tpu.memory_space<vmem>>, vector<16xf32>,
      %add3A_135 = arith.addf %scan3A_115, %get3A_134 : vector<16xf32>
      %get3A_136 = arith.index_cast %scan3A_111 : i32 to index
      %get3A_137 = arith.constant 64 : index
      %get3A_138 = tpu.vector_load %arg8[%get3A_136, %get3A_137] {strides = array<i32>} : memref<200x128xf32, #tpu.memory_space<vmem>>, vector<16xf32>,
      %add3A_139 = arith.addf %scan3A_116, %get3A_138 : vector<16xf32>
      %get3A_140 = arith.index_cast %scan3A_111 : i32 to index
      %get3A_141 = arith.constant 80 : index
      %get3A_142 = tpu.vector_load %arg8[%get3A_140, %get3A_141] {strides = array<i32>} : memref<200x128xf32, #tpu.memory_space<vmem>>, vector<16xf32>,
      %add3A_143 = arith.addf %scan3A_117, %get3A_142 : vector<16xf32>
      %get3A_144 = arith.index_cast %scan3A_111 : i32 to index
      %get3A_145 = arith.constant 96 : index
      %get3A_146 = tpu.vector_load %arg8[%get3A_144, %get3A_145] {strides = array<i32>} : memref<200x128xf32, #tpu.memory_space<vmem>>, vector<16xf32>,
      %add3A_147 = arith.addf %scan3A_118, %get3A_146 : vector<16xf32>
      %get3A_148 = arith.index_cast %scan3A_111 : i32 to index
      %get3A_149 = arith.constant 112 : index
      %get3A_150 = tpu.vector_load %arg8[%get3A_148, %get3A_149] {strides = array<i32>} : memref<200x128xf32, #tpu.memory_space<vmem>>, vector<16xf32>,
      %add3A_151 = arith.addf %scan3A_119, %get3A_150 : vector<16xf32>
      scf.yield %add3A_123, %add3A_127, %add3A_131, %add3A_135, %add3A_139, %add3A_143, %add3A_147, %add3A_151 : vector<16xf32>, vector<16xf32>, vector<16xf32>, vector<16xf32>, vector<16xf32>, vector<16xf32>, vector<16xf32>, vector<16xf32>
    }
    %scan3A_79 = arith.constant 50 : i32
    %add3A_80 = vector.broadcast %squeeze3A : f32 to vector<16xf32>
    %add3A_81 = arith.addf %scan3A_78#0, %add3A_80 : vector<16xf32>
    %swap3A = arith.constant 0 : index
    %swap3A_82 = tpu.vector_load %arg9[%swap3A] {strides = array<i32>} : memref<128xf32, #tpu.memory_space<vmem>>, vector<16xf32>,
    tpu.vector_store %arg9[%swap3A], %add3A_81 {strides = array<i32>} : memref<128xf32, #tpu.memory_space<vmem>>, vector<16xf32>,
    %add3A_83 = vector.broadcast %squeeze3A : f32 to vector<16xf32>
    %add3A_84 = arith.addf %scan3A_78#1, %add3A_83 : vector<16xf32>
    %swap3A_85 = arith.constant 16 : index
    %swap3A_86 = tpu.vector_load %arg9[%swap3A_85] {strides = array<i32>} : memref<128xf32, #tpu.memory_space<vmem>>, vector<16xf32>,
    tpu.vector_store %arg9[%swap3A_85], %add3A_84 {strides = array<i32>} : memref<128xf32, #tpu.memory_space<vmem>>, vector<16xf32>,
    %add3A_87 = vector.broadcast %squeeze3A : f32 to vector<16xf32>
    %add3A_88 = arith.addf %scan3A_78#2, %add3A_87 : vector<16xf32>
    %swap3A_89 = arith.constant 32 : index
    %swap3A_90 = tpu.vector_load %arg9[%swap3A_89] {strides = array<i32>} : memref<128xf32, #tpu.memory_space<vmem>>, vector<16xf32>,
    tpu.vector_store %arg9[%swap3A_89], %add3A_88 {strides = array<i32>} : memref<128xf32, #tpu.memory_space<vmem>>, vector<16xf32>,
    %add3A_91 = vector.broadcast %squeeze3A : f32 to vector<16xf32>
    %add3A_92 = arith.addf %scan3A_78#3, %add3A_91 : vector<16xf32>
    %swap3A_93 = arith.constant 48 : index
    %swap3A_94 = tpu.vector_load %arg9[%swap3A_93] {strides = array<i32>} : memref<128xf32, #tpu.memory_space<vmem>>, vector<16xf32>,
    tpu.vector_store %arg9[%swap3A_93], %add3A_92 {strides = array<i32>} : memref<128xf32, #tpu.memory_space<vmem>>, vector<16xf32>,
    %add3A_95 = vector.broadcast %squeeze3A : f32 to vector<16xf32>
    %add3A_96 = arith.addf %scan3A_78#4, %add3A_95 : vector<16xf32>
    %swap3A_97 = arith.constant 64 : index
    %swap3A_98 = tpu.vector_load %arg9[%swap3A_97] {strides = array<i32>} : memref<128xf32, #tpu.memory_space<vmem>>, vector<16xf32>,
    tpu.vector_store %arg9[%swap3A_97], %add3A_96 {strides = array<i32>} : memref<128xf32, #tpu.memory_space<vmem>>, vector<16xf32>,
    %add3A_99 = vector.broadcast %squeeze3A : f32 to vector<16xf32>
    %add3A_100 = arith.addf %scan3A_78#5, %add3A_99 : vector<16xf32>
    %swap3A_101 = arith.constant 80 : index
    %swap3A_102 = tpu.vector_load %arg9[%swap3A_101] {strides = array<i32>} : memref<128xf32, #tpu.memory_space<vmem>>, vector<16xf32>,
    tpu.vector_store %arg9[%swap3A_101], %add3A_100 {strides = array<i32>} : memref<128xf32, #tpu.memory_space<vmem>>, vector<16xf32>,
    %add3A_103 = vector.broadcast %squeeze3A : f32 to vector<16xf32>
    %add3A_104 = arith.addf %scan3A_78#6, %add3A_103 : vector<16xf32>
    %swap3A_105 = arith.constant 96 : index
    %swap3A_106 = tpu.vector_load %arg9[%swap3A_105] {strides = array<i32>} : memref<128xf32, #tpu.memory_space<vmem>>, vector<16xf32>,
    tpu.vector_store %arg9[%swap3A_105], %add3A_104 {strides = array<i32>} : memref<128xf32, #tpu.memory_space<vmem>>, vector<16xf32>,
    %add3A_107 = vector.broadcast %squeeze3A : f32 to vector<16xf32>
    %add3A_108 = arith.addf %scan3A_78#7, %add3A_107 : vector<16xf32>
    %swap3A_109 = arith.constant 112 : index
    %swap3A_110 = tpu.vector_load %arg9[%swap3A_109] {strides = array<i32>} : memref<128xf32, #tpu.memory_space<vmem>>, vector<16xf32>,
    tpu.vector_store %arg9[%swap3A_109], %add3A_108 {strides = array<i32>} : memref<128xf32, #tpu.memory_space<vmem>>, vector<16xf32>,
    "tpu.region"() ({
      %run_scoped3A = tpu.sem_alloc : memref<!tpu.dma_semaphore, #tpu.memory_space<semaphore_mem>>
      %dma_start3A_111 = tpu.memref_slice %arg5[%mul3A_5] : memref<4096xf32, #tpu.memory_space<hbm>> -> memref<128xf32, #tpu.memory_space<hbm>>
      %dma_start3A_112 = tpu.memref_slice %arg5[%mul3A_5] : memref<4096xf32, #tpu.memory_space<hbm>> -> memref<128xf32, #tpu.memory_space<hbm>>
      tpu.enqueue_dma source(%arg9 : memref<128xf32, #tpu.memory_space<vmem>>) target(%dma_start3A_112 : memref<128xf32, #tpu.memory_space<hbm>>) target_semaphore(%run_scoped3A : memref<!tpu.dma_semaphore, #tpu.memory_space<semaphore_mem>>)
      %dma_wait3A_113 = tpu.memref_slice %arg5[%mul3A_5] : memref<4096xf32, #tpu.memory_space<hbm>> -> memref<128xf32, #tpu.memory_space<hbm>>
      %dma_wait3A_114 = tpu.memref_slice %arg5[%mul3A_5] : memref<4096xf32, #tpu.memory_space<hbm>> -> memref<128xf32, #tpu.memory_space<hbm>>
      tpu.wait_dma2 semaphore(%run_scoped3A : memref<!tpu.dma_semaphore, #tpu.memory_space<semaphore_mem>>) src(%arg9 : memref<128xf32, #tpu.memory_space<vmem>>) dst(%dma_wait3A_114 : memref<128xf32, #tpu.memory_space<hbm>>)
      tpu.yield
    }) : () -> ()
    return
  }
}

module attributes {stable_mosaic.version = 14 : i64} {
  func.func @_mv_body(%arg0: i32, %arg1: memref<32x65536xf32, #tpu.memory_space<vmem>>, %arg2: memref<32x1xf32, #tpu.memory_space<vmem>>, %arg3: memref<65536xf32, #tpu.memory_space<vmem>>) attributes {dimension_semantics = [#tpu.dimension_semantics<arbitrary>], iteration_bounds = array<i64: 16>, scalar_prefetch = 0 : i64, scratch_operands = 0 : i64, tpu.core_type = #tpu.core_type<tc>, window_params = [{transform_indices = @transform_0, window_bounds = array<i64: 32, 65536>}, {pipeline_mode = #tpu.pipeline_mode<synchronous>, transform_indices = @transform_1, window_bounds = array<i64: 32, 1>}, {transform_indices = @transform_2, window_bounds = array<i64: 65536>}]} {
    %get3A = arith.constant 0 : index
    %get3A_0 = arith.constant 0 : index
    %get3A_1 = vector.load %arg1[%get3A, %get3A_0] : memref<32x65536xf32, #tpu.memory_space<vmem>>, vector<32x65536xf32>
    %get3A_2 = arith.constant 0 : index
    %get3A_3 = arith.constant 0 : index
    %get3A_4 = vector.load %arg2[%get3A_2, %get3A_3] : memref<32x1xf32, #tpu.memory_space<vmem>>, vector<32x1xf32>
    %mul3A = vector.broadcast %get3A_4 : vector<32x1xf32> to vector<32x65536xf32>
    %mul3A_5 = arith.mulf %get3A_1, %mul3A : vector<32x65536xf32>
    %reduce_sum3A = arith.constant dense<0.000000e+00> : vector<65536xf32>
    %reduce_sum3A_6 = vector.multi_reduction <add>, %mul3A_5, %reduce_sum3A [0] : vector<32x65536xf32> to vector<65536xf32>
    %swap3A = arith.constant 0 : index
    %swap3A_7 = vector.load %arg3[%swap3A] : memref<65536xf32, #tpu.memory_space<vmem>>, vector<65536xf32>
    tpu.vector_store %arg3[%swap3A], %reduce_sum3A_6 {strides = array<i32>} : memref<65536xf32, #tpu.memory_space<vmem>>, vector<65536xf32>,
    return
  }
  func.func @transform_0(%arg0: i32) -> (i32, i32) {
    %c0_i32 = arith.constant 0 : i32
    %c0_i32_0 = arith.constant 0 : i32
    return %c0_i32, %arg0 : i32, i32
  }
  func.func @transform_1(%arg0: i32) -> (i32, i32) {
    %c0_i32 = arith.constant 0 : i32
    %c0_i32_0 = arith.constant 0 : i32
    %c0_i32_1 = arith.constant 0 : i32
    return %c0_i32, %c0_i32_0 : i32, i32
  }
  func.func @transform_2(%arg0: i32) -> i32 {
    %c0_i32 = arith.constant 0 : i32
    return %arg0 : i32
  }
}

</mosaic_0001>

<sc_bundles>
// kernel: kernel.4.cloned.1.call-start
scs
__scs_entry_jumppad:
0x0: {  	(pc) =	sbr.rel $0x88, $3  }
0x1: {  	(tag) =	ssettag $0x0;
	lr =	simm.s32 $0x1  }
0x2: {  	[smem:$0x3F9D] =	sst lr;
	_ =	strace $0xD0000000  }
0x3: {  	_ = 	snop  }
0x4: {  	_ = 	snop  }
0x5: {  	_ = 	snop  }
0x6: {  	_ = 	snop  }
0x7: {  	_ = 	snop  }
__scs_overlays_trampoline_lowered:
0x8: {  	[smem:$0x3FAC] =	sst s0  }
0x9: {  	[smem:$0x3FAD] =	sst s1  }
0xa: {  	[smem:$0x3FAE] =	sst s2  }
0xb: {  	[smem:$0x3FAF] =	sst s3  }
0xc: {  	[smem:$0x3FB0] =	sst s4  }
0xd: {  	[smem:$0x3FB1] =	sst s5  }
0xe: {  	[smem:$0x3FB2] =	sst s6  }
0xf: {  	[smem:$0x3FB3] =	sst s7  }
0x10: {  	[smem:$0x3FB4] =	sst s8  }
0x11: {  	[smem:$0x3FB5] =	sst s9;
	s0 =	simm.s32 @!p0 $0x0  }
0x12: {  	s1 =	sld [smem:$0x3F9B];
	s0 =	simm.s32 @p0 $0x1  }
0x13: {  	[smem:$0x3FB6] =	sst s0;
	s0 =	simm.s32 @!p1 $0x0  }
0x14: {  	s2 =	sld [smem:$0x3F9A];
	s0 =	simm.s32 @p1 $0x1  }
0x15: {  	[smem:$0x3FB7] =	sst s0;
	s0 =	simm.s32 @!p2 $0x0  }
0x16: {  	s3 =	sld [smem:$0x3FDB];
	s0 =	simm.s32 @p2 $0x1  }
0x17: {  	s4 =	simm.s32 $0x1BF5;
	[smem:$0x3FB9] =	sst s0  }
0x18: {  	s0 =	sld [smem:$0x3F9C];
	_ =	swait.ge [sflag:s4], $0x0  }
0x19: {  	s7 =	sld [smem:$0x3F9D]  }
0x1a: {  	s8 =	sadd.s32 $0xFFFFE003, lr  }
0x1b: {  	s9 =	sadd.s32 $0xFFFFFEF7, lr;
	s5 =	simm.s32 $0xFFFFFFFF;
	p2 =	slt.u32 s8, $0xFFFFF086  }
0x1c: {  	p1 =	slt.u32 s9, $0xF7A;
	s5 =	simm.s32 @!p2 $0x0  }
0x1d: {  	s5 =	simm.s32 @p1 $0x1;
	p0 =	seq.s32 s7, s2  }
0x1e: {  	s7 =	smul.u32 @!p0 $0xF7A, s2;
	p2 =	seq.s32 @!p0 s5, $0x0  }
0x1f: {  	s9 =	smul.u32 $0xF7A, s1;
	s8 =	simm.s32 @!p0 $0x1BF5;
	p2 =	por !p2, p0  }
0x20: {  	[sflag:s8] =	ssyncset.s32 @!p0 $0xFFFFF086;
	s6 =	sadd.s32 @!p0 s3, s7;
	s7 =	simm.s32 @!p0 $0x108  }
0x21: {  	s3 =	sadd.s32 s3, s9;
	s6 =	sadd.s32 @!p0 $0x88, s6;
	s7 =	simm.s32 @p2 $0x1082  }
0x22: {  	[simem:s7], [sflag:s8] =	dma.local @!p0 [hbm:s6], $0xF7A  }
0x23: {  	s9 =	sor.u32 $0xD0000000, s2;
	s6 =	simm.s32 $0x108;
	_ =	swait.ge @!p0 [sflag:s8], $0x0  }
0x24: {  	s3 =	sadd.s32 $0x88, s3;
	s6 =	simm.s32 @!p1 $0x1082;
	[sflag:s4] =	ssyncset.s32 $0xFFFFF086  }
0x25: {  	[simem:s6], [sflag:s4] =	dma.local [hbm:s3], $0xF7A  }
0x26: {  	[smem:$0x3F9D] =	sst s1;
	(tag) =	ssettag s2;
	_ =	strace s9  }
0x27: {  	s1 =	sld [smem:$0x3FAD]  }
0x28: {  	s2 =	sld [smem:$0x3FAE]  }
0x29: {  	s4 =	sld [smem:$0x3FB0]  }
0x2a: {  	p0 =	seq.s32 s5, $0x0;
	s5 =	sld [smem:$0x3FB1]  }
0x2b: {  	s6 =	sld [smem:$0x3FB2]  }
0x2c: {  	s7 =	sld [smem:$0x3FB3]  }
0x2d: {  	s3 =	simm.s32 $0x108;
	s8 =	sld [smem:$0x3FB4]  }
0x2e: {  	s3 =	simm.s32 @!p0 $0x1082;
	s9 =	sld [smem:$0x3FB5]  }
0x2f: {  	lr =	sadd.s32 s0, s3;
	s0 =	sld [smem:$0x3FAC]  }
0x30: {  	s3 =	sld [smem:$0x3FAF]  }
0x31: {  	[smem:$0x3FB8] =	sst s10  }
0x32: {  	s10 =	sld [smem:$0x3FB6];
	_ =	sdelay $0x3  }
0x33: {  	p0 =	seq.s32 s10, $0x1;
	s10 =	sld [smem:$0x3FB8];
	_ =	sdelay $0x3  }
0x34: {  	[smem:$0x3FB8] =	sst s10  }
0x35: {  	s10 =	sld [smem:$0x3FB7];
	_ =	sdelay $0x3  }
0x36: {  	p1 =	seq.s32 s10, $0x1;
	s10 =	sld [smem:$0x3FB8];
	_ =	sdelay $0x3  }
0x37: {  	[smem:$0x3FB8] =	sst s10  }
0x38: {  	s10 =	sld [smem:$0x3FB9]  }
0x39: {  	_ = 	snop;
	(pc) =	sbr.ind lr, $3  }
0x3a: {  	_ = 	snop  }
0x3b: {  	_ = 	snop  }
0x3c: {  	p2 =	seq.s32 s10, $0x1;
	s10 =	sld [smem:$0x3FB8]  }
0x3d: {  	_ =	shalt  }
0x3e: {  	_ =	shalt  }
0x3f: {  	_ =	shalt  }
0x40: {  	_ =	shalt  }
0x41: {  	_ =	shalt  }
0x42: {  	_ =	shalt  }
0x43: {  	_ =	shalt  }
0x44: {  	_ =	shalt  }
0x45: {  	_ =	shalt  }
0x46: {  	_ =	shalt  }
0x47: {  	_ =	shalt  }
0x48: {  	_ =	shalt  }
0x49: {  	_ =	shalt  }
0x4a: {  	_ =	shalt  }
0x4b: {  	_ =	shalt  }
0x4c: {  	_ =	shalt  }
0x4d: {  	_ =	shalt  }
0x4e: {  	_ =	shalt  }
0x4f: {  	_ =	shalt  }
0x50: {  	_ =	shalt  }
0x51: {  	_ =	shalt  }
0x52: {  	_ =	shalt  }
0x53: {  	_ =	shalt  }
0x54: {  	_ =	shalt  }
0x55: {  	_ =	shalt  }
0x56: {  	_ =	shalt  }
0x57: {  	_ =	shalt  }
0x58: {  	_ =	shalt  }
0x59: {  	_ =	shalt  }
0x5a: {  	_ =	shalt  }
0x5b: {  	_ =	shalt  }
0x5c: {  	_ =	shalt  }
0x5d: {  	_ =	shalt  }
0x5e: {  	_ =	shalt  }
0x5f: {  	_ =	shalt  }
0x60: {  	_ =	shalt  }
0x61: {  	_ =	shalt  }
0x62: {  	_ =	shalt  }
0x63: {  	_ =	shalt  }
0x64: {  	_ =	shalt  }
0x65: {  	_ =	shalt  }
0x66: {  	_ =	shalt  }
0x67: {  	_ =	shalt  }
0x68: {  	_ =	shalt  }
0x69: {  	_ =	shalt  }
0x6a: {  	_ =	shalt  }
0x6b: {  	_ =	shalt  }
0x6c: {  	_ =	shalt  }
0x6d: {  	_ =	shalt  }
0x6e: {  	_ =	shalt  }
0x6f: {  	_ =	shalt  }
0x70: {  	_ =	shalt  }
0x71: {  	_ =	shalt  }
0x72: {  	_ =	shalt  }
0x73: {  	_ =	shalt  }
0x74: {  	_ =	shalt  }
0x75: {  	_ =	shalt  }
0x76: {  	_ =	shalt  }
0x77: {  	_ =	shalt  }
0x78: {  	_ =	shalt  }
0x79: {  	_ =	shalt  }
0x7a: {  	_ =	shalt  }
0x7b: {  	_ =	shalt  }
0x7c: {  	_ =	shalt  }
0x7d: {  	_ =	shalt  }
0x7e: {  	_ =	shalt  }
0x7f: {  	_ =	shalt  }
0x80: {  	_ =	shalt  }
0x81: {  	_ =	shalt  }
0x82: {  	_ =	shalt  }
0x83: {  	_ =	shalt  }
0x84: {  	_ =	shalt  }
0x85: {  	_ =	shalt  }
0x86: {  	_ =	shalt  }
0x87: {  	_ =	shalt  }
.Lfunc_end0:
.L_simem_size_0:
called_computation_lowered:
.L_overlay_start_0:
0x88: {  	s2 =	sld [smem:$0x3FD9]  }
0x89: {  	s3 =	sld [smem:$0x3FFE];
	_ =	sdelay $0x1  }
0x8a: {  	s1 =	srdreg.scid  }
0x8b: {  	s0 =	sand.u32 $0x1, s1  }
0x8c: {  	s17 =	sshll.u32 s0, $0xA;
	s2 =	sadd.s32 s3, s2  }
0x8d: {  	s2 =	sadd.s32 s2, s17  }
0x8e: {  	[smem:$0x3FC4] =	sst s2  }
0x8f: {  	_ = 	snop  }
0x90: {  	s2 =	sld [smem:$0x3FC9]  }
0x91: {  	s18 =	sld [smem:$0x3FD0];
	(tm) =	ssettm $0x1  }
0x92: {  	s4 =	sld [smem:$0x3FFB];
	_ =	sdelay $0x3  }
0x93: {  	_ =	strace s4  }
0x94: {  	s4 =	sld [smem:$0x3FFC];
	_ =	sdelay $0x3  }
0x95: {  	_ =	strace s4  }
0x96: {  	s4 =	sld [smem:$0x3FFD];
	_ =	sdelay $0x3  }
0x97: {  	_ =	strace s4  }
0x98: {  	_ =	strace $0x8FFFFFFF  }
0x99: {  	s19 =	sld [smem:$0x3FDB];
	_ =	sdelay $0x1  }
0x9a: {  	s5 =	simm.s32 $_scs_section_size  }
0x9b: {  	s6 =	simm.s32 $_size__tile_overlayer_lowered;
	s7 =	simm.s32 $_tile_overlayer_lowered  }
0x9c: {  	s22 =	simm.s32 $0x1BFF;
	s21 =	sshll.u32 s7, $0x1;
	s4 =	sadd.s32 s5, s19  }
0x9d: {  	s8 =	simm.s32 $0x0;
	s20 =	sshll.u32 s6, $0x1;
	s6 =	sadd.s32 s21, s4  }
0x9e: {  	[timem:s8], [sflag:s22] =	dma.local [hbm:s6], s20  }
0x9f: {  	_ =	swait.ge [sflag:s22], s20  }
0xa0: {  	s5 =	ssub.s32 $0x0, s20;
	[sflag:s22] =	ssyncset.done $0x0  }
0xa1: {  	[sflag:s22] =	ssyncadd.s32 s5;
	_ =	sdelay $0x1  }
0xa2: {  	s23 =	simm.s32 $0x1B8B  }
0xa3: {  	_ =	swait.ge [sflag:s23], $0x1  }
0xa4: {  	[sflag:s23] =	ssyncset.done $0x0  }
0xa5: {  	s25 =	simm.s32 $0x1B8E;
	s24 =	sld [smem:$0x3FFE];
	[sflag:s23] =	ssyncadd.s32 $0xFFFFFFFF  }
0xa6: {  	s26 =	simm.s32 $execute0_lowered;
	[smem:$0x3FD2] =	sst s25  }
0xa7: {  	s6 =	sshll.u32 s26, $0x1;
	_ =	strace $0x80000046;
	[dreg:$0x1] =	wrdreg $0xFFFFFFFF  }
0xa8: {  	s28 =	simm.s32 $_size_execute0_lowered;
	s4 =	sadd.s32 s4, s6;
	[dreg:$0x0] =	wrdreg $0x0  }
0xa9: {  	s6 =	sshll.u32 s28, $0x1;
	[dreg:$0x2] =	wrdreg s4  }
0xaa: {  	[dreg:$0x3] =	wrdreg s6  }
0xab: {  	[dreg:$0x4] =	wrdreg $0xC0  }
0xac: {  	_ =	task [dreg:s8], $0x5FFFF  }
0xad: {  	[dreg:$0x1] =	wrdreg $0xFFFFFFFF  }
0xae: {  	[dreg:$0x0] =	wrdreg $0x60  }
0xaf: {  	[dreg:$0x2] =	wrdreg s2  }
0xb0: {  	[dreg:$0x3] =	wrdreg s24  }
0xb1: {  	[dreg:$0x4] =	wrdreg s18  }
0xb2: {  	[dreg:$0x5] =	wrdreg $0x0  }
0xb3: {  	[dreg:$0x6] =	wrdreg $0x9  }
0xb4: {  	_ =	task.clear_ibuf [dreg:s8], $0x7FFFF;
	_ =	strace $0x90000046  }
0xb5: {  	s29 =	simm.s32 $0x9;
	_ =	strace $0x80000048  }
0xb6: {  	_ =	swait.ge [sflag:s29], $0x1  }
0xb7: {  	[sflag:s29] =	ssyncadd.s32 $0xFFFFFFFF  }
0xb8: {  	_ =	strace $0x90000048  }
0xb9: {  	_ =	sfence  }
0xba: {  	s30 =	sld [smem:$0x0];
	_ =	sdelay $0x2  }
0xbb: {  	s31 =	sshll.u32 s1, $0xD;
	s1 =	sshrl.u32 s1, $0x2  }
0xbc: {  	s3 =	sand.u32 $0x4000, s31;
	s1 =	sadd.s32 s1, s30  }
0xbd: {  	s0 =	sor.u32 s3, s0;
	s1 =	sshll.u32 s1, $0x11  }
0xbe: {  	s0 =	sor.u32 s1, s0  }
0xbf: {  	s0 =	sadd.s32 $0x8F2B, s0  }
0xc0: {  	[sflag:s0] =	ssyncadd.remote.s32 $0x1  }
0xc1: {  	_ =	sfence.sel $0xFFFF  }
0xc2: {  	[dreg:$0x0] =	wrdreg $0xFFFFFFFF;
	(pc) =	sbr.abs _section_cstart, $3  }
0xc3: {  	[dreg:$0x1] =	wrdreg $0xFFFFFFFF  }
0xc4: {  	_ =	task.clear_ibuf [dreg:s8], $0x2FFFF;
	_ =	strace $0x9FFFFFFF  }
0xc5: {  	(tm) =	ssettm $0x7FFFFFFF  }
tec
execute0_lowered:
.L_overlay_start_1:
0x0: {  	(tag) =	ssettag $0x1  }
0x1: {  	s7 =	rddreg [dreg:$0x0]  }
0x2: {  	s4 =	rddreg [dreg:$0x1]  }
0x3: {  	s8 =	rddreg [dreg:$0x2]  }
0x4: {  	s2 =	rddreg [dreg:$0x3];
	s0 =	stileid.u32  }
0x5: {  	s6 =	srdreg.scid;
	s1 =	rddreg [dreg:$0x4]  }
0x6: {  	s3 =	simm.s32 $0x0;
	s14 =	simm.s32 $0x8000;
	s15 =	simm.s32 $0xF480  }
0x7: {  	s16 =	simm.s32 $0x2;
	s17 =	simm.s32 $0x80;
	s18 =	simm.s32 $0x1  }
0x8: {  	s19 =	simm.s32 $0x1BC80;
	s20 =	simm.s32 $0x0;
	s5 =	smul.u32 $0xF480, s0  }
0x9: {  	s6 =	sand.u32 $0x1, s6;
	[smem:$0x7FF] =	sst s3;
	s30 =	sshll.u32 s0, $0x1  }
0xa: {  	s31 =	sshll.u32 s0, $0x6;
	s10 =	ssub.s32 $0x2, s6;
	_ =	strace $0x80000047  }
0xb: {  	s6 =	sor.u32 s6, s30;
	s9 =	sshrl.u32 s5, $0x3;
	s11 =	sshrl.u32 s10, $0x1  }
0xc: {  	s12 =	sadd.s32 s5, s2;
	s13 =	sshll.u32 s6, $0x4;
	s9 =	sadd.s32 s9, s4  }
0xd: {  	s4 =	sadd.s32 $0x1F000, s4;
	s10 =	ssub.s32 s10, s11;
	s11 =	sshll.u32 s6, $0x7  }
0xe: {  	s6 =	sor.u32 $0x1C02, s31;
	s8 =	sadd.s32 s8, s13;
	s13 =	simm.s32 $0x400  }
0xf: {  	s5 =	sadd.s32 $0x600, s9;
	s7 =	sadd.s32 s7, s11;
	s9 =	smax.u32 s10, $0x1  }
0x10: {  	s10 =	sshrl.u32 s12, $0x3;
	s11 =	simm.s32 $0x1BD00;
	s12 =	simm.s32 $0x3  }
.LBB2_1:
0x11: {  	[spmem:s10], [sflag:s6] =	dma.local [hbm:s5], $0x1E90  }
0x12: {  	[tilespmem:s11], [sflag:$0x3] =	stream.linear.gather [hbm4b:s4+s3], $0x80, $0x38;
	[tilespmem:$0x1BD80] =	vst v63  }
0x13: {  	_ =	swait.ge [sflag:s12], $0x80  }
0x14: {  	[sflag:s12] =	ssyncset.done $0x0  }
0x15: {  	[sflag:s12] =	ssyncadd.s32 $0xFFFFFF80  }
0x16: {  	[tilespmem:s15], [sflag:$0x3] =	stream.strided.gather [hbm4b:s7+s13], $0x6400, s14, s13, $0x38;
	[tilespmem:$0x1BD80] =	vst v63  }
0x17: {  	_ =	swait.ge [sflag:s12], $0x6400  }
0x18: {  	[sflag:s12] =	ssyncset.done $0x0  }
0x19: {  	[sflag:s12] =	ssyncadd.s32 $0xFFFF9C00  }
0x1a: {  	_ =	swait.ge [sflag:s16], $0x1E90  }
0x1b: {  	[sflag:s16] =	ssyncset.done $0x0  }
0x1c: {  	[sflag:s16] =	ssyncadd.s32 $0xFFFFE170  }
0x1d: {  	[bflag:$0x0] =	sbarrier.arrive $0xFFFF  }
0x1e: {  	s21 =	simm.s32 $0x0;
	v0 =	vld [tilespmem:$0x1BD00]  }
.LBB2_2:
0x1f: {  	p0 =	sne.s32 s21, $0x6200  }
.Ltmp0:
0x20: {  	_ = 	snop;
	(pc) =	sbr.rel @p0 .LBB2_2-.Ltmp0, $4  }
0x21: {  	_ = 	snop  }
0x22: {  	s22 =	sshra.s32 s21, $0x2  }
0x23: {  	s21 =	sadd.s32 $0x200, s21;
	s23 =	sadd.s32 $0x15880, s22;
	s22 =	sadd.s32 $0xF480, s22  }
0x24: {  	[tilespmem:s23], [sflag:$0x1] =	stream.indirect.gather [spmem:s2], $0x1, s22, s17, $0xb8;
	[tilespmem:$0x1BD80] =	vst v63  }
0x25: {  	s21 =	simm.s32 $0x0  }
.LBB2_4:
0x26: {  	p0 =	sne.s32 s21, $0x6200  }
.Ltmp1:
0x27: {  	_ = 	snop;
	(pc) =	sbr.rel @p0 .LBB2_4-.Ltmp1, $4  }
0x28: {  	_ = 	snop  }
0x29: {  	s22 =	sshra.s32 s21, $0x2  }
0x2a: {  	s21 =	sadd.s32 $0x200, s21;
	s23 =	sadd.s32 $0x17180, s22;
	s22 =	sadd.s32 $0x10D80, s22  }
0x2b: {  	[tilespmem:s23], [sflag:$0x2] =	stream.indirect.gather [spmem:s2], $0x1, s22, s17, $0xb8;
	[tilespmem:$0x1BD80] =	vst v63  }
0x2c: {  	_ =	swait.ge [sflag:s18], $0x80  }
0x2d: {  	s21 =	simm.s32 $0x31;
	[sflag:s18] =	ssyncset.done $0x0  }
.LBB2_6:
0x2e: {  	p0 =	sne.s32 s21, $0x1;
	s21 =	sadd.s32 $0xFFFFFFFF, s21;
	[sflag:s18] =	ssyncadd.s32 $0xFFFFFF80  }
.Ltmp2:
0x2f: {  	(pc) =	sbr.rel @p0 .LBB2_6-.Ltmp2, $3  }
0x30: {  	_ =	sdelay $0x1  }
0x31: {  	_ =	swait.ge [sflag:s18], $0x80  }
0x32: {  	s22 =	simm.s32 $0x0;
	[sflag:s18] =	ssyncset.done $0x0  }
0x33: {  	[sflag:s18] =	ssyncadd.s32 $0xFFFFFF80  }
.LBB2_8:
0x34: {  	p0 =	sne.s32 s22, $0x6200  }
.Ltmp3:
0x35: {  	_ = 	snop;
	(pc) =	sbr.rel @p0 .LBB2_8-.Ltmp3, $4  }
0x36: {  	_ = 	snop  }
0x37: {  	s21 =	sshra.s32 s22, $0x2  }
0x38: {  	s22 =	sadd.s32 $0x200, s22;
	s23 =	sadd.s32 $0x18A80, s21;
	s21 =	sadd.s32 $0x12680, s21  }
0x39: {  	[tilespmem:s23], [sflag:$0x1] =	stream.indirect.gather [spmem:s2], $0x1, s21, s17, $0xb8;
	[tilespmem:$0x1BD80] =	vst v63  }
0x3a: {  	s23 =	simm.s32 $0x0  }
0x3b: {  	v1 =	vld [tilespmem:s23+$0x158F0]  }
0x3c: {  	v2 =	vld [tilespmem:s23+$0x15880]  }
0x3d: {  	v3 =	vld [tilespmem:s23+$0x15890]  }
0x3e: {  	v6 =	vld [tilespmem:s23+$0x158A0]  }
0x3f: {  	v7 =	vld [tilespmem:s23+$0x158B0]  }
0x40: {  	v4 =	vimm.f32 $0.0e+00;
	v5 =	vimm.f32 $0.0e+00;
	v8 =	vld [tilespmem:s23+$0x158C0]  }
0x41: {  	v11 =	vimm.f32 $0.0e+00;
	v9 =	vimm.f32 $0.0e+00;
	v12 =	vld [tilespmem:s23+$0x158D0];
	v1 =	vadd.f32 v1, v4  }
0x42: {  	s21 =	simm.s32 $0x80;
	s22 =	simm.s32 $0x400;
	v10 =	vimm.f32 $0.0e+00;
	v13 =	vld [tilespmem:s23+$0x158E0];
	v2 =	vadd.f32 v2, v4;
	v3 =	vadd.f32 v3, v4  }
.LBB2_10:
0x43: {  	p0 =	sne.s32 s22, $0x6200;
	v14 =	vld [tilespmem:s21+$0x158F0];
	v4 =	vadd.f32 v6, v4  }
0x44: {  	v15 =	vld [tilespmem:s21+$0x15880];
	v5 =	vadd.f32 v7, v5  }
0x45: {  	v16 =	vld [tilespmem:s21+$0x15890];
	v11 =	vadd.f32 v8, v11  }
.Ltmp4:
0x46: {  	v6 =	vld [tilespmem:s21+$0x158A0];
	v9 =	vadd.f32 v12, v9;
	(pc) =	sbr.rel @p0 .LBB2_10-.Ltmp4, $4  }
0x47: {  	v7 =	vld [tilespmem:s21+$0x158B0];
	v10 =	vadd.f32 v13, v10  }
0x48: {  	v8 =	vld [tilespmem:s21+$0x158C0];
	v1 =	vadd.f32 v14, v1  }
0x49: {  	v2 =	vadd.f32 v15, v2;
	v12 =	vld [tilespmem:s21+$0x158D0]  }
0x4a: {  	v3 =	vadd.f32 v16, v3;
	v13 =	vld [tilespmem:s21+$0x158E0];
	s21 =	sshra.s32 s22, $0x2;
	s22 =	sadd.s32 $0x200, s22  }
0x4b: {  	v14 =	vld [tilespmem:s21+$0x158F0]  }
0x4c: {  	v15 =	vld [tilespmem:s21+$0x15880]  }
0x4d: {  	v16 =	vld [tilespmem:s21+$0x15890]  }
0x4e: {  	v17 =	vld [tilespmem:s21+$0x158A0]  }
0x4f: {  	v18 =	vld [tilespmem:s21+$0x158B0]  }
0x50: {  	v19 =	vld [tilespmem:s21+$0x158C0]  }
0x51: {  	v4 =	vadd.f32 v6, v4;
	v20 =	vld [tilespmem:s21+$0x158D0]  }
0x52: {  	v22 =	vld [tilespmem:s21+$0x158E0];
	v21 =	vadd.f32 v7, v5;
	v11 =	vadd.f32 v8, v11  }
0x53: {  	v9 =	vadd.f32 v12, v9;
	v10 =	vadd.f32 v13, v10  }
0x54: {  	v8 =	vadd.f32 v14, v1;
	v7 =	vadd.f32 v15, v2  }
0x55: {  	v6 =	vadd.f32 v16, v3;
	v5 =	vadd.f32 v17, v4  }
0x56: {  	_ =	swait.ge [sflag:s16], $0x80;
	v1 =	vadd.f32 v18, v21;
	v2 =	vadd.f32 v19, v11  }
0x57: {  	s21 =	simm.s32 $0x31;
	[sflag:s16] =	ssyncset.done $0x0;
	v3 =	vadd.f32 v20, v9;
	v4 =	vadd.f32 v22, v10  }
.LBB2_12:
0x58: {  	p0 =	sne.s32 s21, $0x1;
	s21 =	sadd.s32 $0xFFFFFFFF, s21;
	[sflag:s16] =	ssyncadd.s32 $0xFFFFFF80  }
.Ltmp5:
0x59: {  	(pc) =	sbr.rel @p0 .LBB2_12-.Ltmp5, $3  }
0x5a: {  	_ =	sdelay $0x1  }
0x5b: {  	_ =	swait.ge [sflag:s16], $0x80  }
0x5c: {  	[sflag:s16] =	ssyncset.done $0x0  }
0x5d: {  	[sflag:s16] =	ssyncadd.s32 $0xFFFFFF80  }
0x5e: {  	s21 =	simm.s32 $0x200;
	s22 =	simm.s32 $0x1A380;
	s23 =	simm.s32 $0x13F80  }
.LBB2_14:
0x5f: {  	[tilespmem:s22], [sflag:$0x2] =	stream.indirect.gather [spmem:s2], $0x1, s23, s17, $0xb8;
	[tilespmem:$0x1BD80] =	vst v63  }
0x60: {  	s22 =	smov.u32 s21;
	p0 =	sne.s32 s21, $0x6200  }
.Ltmp6:
0x61: {  	s21 =	sadd.s32 $0x200, s21;
	(pc) =	sbr.rel @p0 .LBB2_14-.Ltmp6, $3  }
0x62: {  	_ =	sdelay $0x1  }
0x63: {  	s23 =	sshra.s32 s22, $0x2  }
0x64: {  	s22 =	sadd.s32 $0x1A380, s23;
	s23 =	sadd.s32 $0x13F80, s23  }
0x65: {  	[tilespmem:s22], [sflag:$0x2] =	stream.indirect.gather [spmem:s2], $0x1, s23, s17, $0xb8;
	[tilespmem:$0x1BD80] =	vst v63  }
0x66: {  	s31 =	simm.s32 $0x0  }
0x67: {  	v12 =	vld [tilespmem:s31+$0x171F0]  }
0x68: {  	v13 =	vld [tilespmem:s31+$0x17180]  }
0x69: {  	v14 =	vld [tilespmem:s31+$0x17190]  }
0x6a: {  	v11 =	vld [tilespmem:s31+$0x171A0]  }
0x6b: {  	v9 =	vld [tilespmem:s31+$0x171B0]  }
0x6c: {  	v10 =	vld [tilespmem:s31+$0x171C0]  }
0x6d: {  	v8 =	vadd.f32 v12, v8;
	v12 =	vld [tilespmem:s31+$0x171D0]  }
0x6e: {  	s21 =	simm.s32 $0x80;
	s22 =	simm.s32 $0x400;
	v7 =	vadd.f32 v13, v7;
	v6 =	vadd.f32 v14, v6;
	v13 =	vld [tilespmem:s31+$0x171E0]  }
.LBB2_16:
0x6f: {  	p0 =	sne.s32 s22, $0x6200;
	v14 =	vld [tilespmem:s21+$0x171F0];
	v5 =	vadd.f32 v11, v5  }
0x70: {  	v15 =	vld [tilespmem:s21+$0x17180];
	v1 =	vadd.f32 v9, v1  }
0x71: {  	v16 =	vld [tilespmem:s21+$0x17190];
	v2 =	vadd.f32 v10, v2  }
.Ltmp7:
0x72: {  	v11 =	vld [tilespmem:s21+$0x171A0];
	v3 =	vadd.f32 v12, v3;
	(pc) =	sbr.rel @p0 .LBB2_16-.Ltmp7, $4  }
0x73: {  	v9 =	vld [tilespmem:s21+$0x171B0];
	v4 =	vadd.f32 v13, v4  }
0x74: {  	v10 =	vld [tilespmem:s21+$0x171C0];
	v8 =	vadd.f32 v14, v8  }
0x75: {  	v7 =	vadd.f32 v15, v7;
	v12 =	vld [tilespmem:s21+$0x171D0]  }
0x76: {  	v6 =	vadd.f32 v16, v6;
	v13 =	vld [tilespmem:s21+$0x171E0];
	s21 =	sshra.s32 s22, $0x2;
	s22 =	sadd.s32 $0x200, s22  }
0x77: {  	v14 =	vld [tilespmem:s21+$0x171F0]  }
0x78: {  	v15 =	vld [tilespmem:s21+$0x17180]  }
0x79: {  	v16 =	vld [tilespmem:s21+$0x17190]  }
0x7a: {  	v17 =	vld [tilespmem:s21+$0x171A0]  }
0x7b: {  	v18 =	vld [tilespmem:s21+$0x171B0]  }
0x7c: {  	v19 =	vld [tilespmem:s21+$0x171C0]  }
0x7d: {  	v5 =	vadd.f32 v11, v5;
	v11 =	vld [tilespmem:s21+$0x171D0]  }
0x7e: {  	v1 =	vadd.f32 v9, v1;
	v9 =	vld [tilespmem:s21+$0x171E0];
	v2 =	vadd.f32 v10, v2  }
0x7f: {  	v10 =	vadd.f32 v12, v3;
	v13 =	vadd.f32 v13, v4  }
0x80: {  	v12 =	vadd.f32 v14, v8;
	v7 =	vadd.f32 v15, v7  }
0x81: {  	v8 =	vadd.f32 v16, v6;
	v5 =	vadd.f32 v17, v5  }
0x82: {  	v3 =	vadd.f32 v18, v1;
	v4 =	vadd.f32 v19, v2  }
0x83: {  	s21 =	simm.s32 $0x32;
	v1 =	vadd.f32 v11, v10;
	v2 =	vadd.f32 v9, v13  }
.LBB2_18:
0x84: {  	p0 =	sne.s32 s21, $0x1  }
.Ltmp8:
0x85: {  	_ = 	snop;
	(pc) =	sbr.rel @p0 .LBB2_18-.Ltmp8, $4  }
0x86: {  	_ = 	snop  }
0x87: {  	_ =	swait.ge [sflag:s18], $0x80  }
0x88: {  	[sflag:s18] =	ssyncset.done $0x0  }
0x89: {  	s21 =	sadd.s32 $0xFFFFFFFF, s21;
	[sflag:s18] =	ssyncadd.s32 $0xFFFFFF80  }
0x8a: {  	s23 =	simm.s32 $0x0  }
0x8b: {  	v6 =	vld [tilespmem:s23+$0x18AF0]  }
0x8c: {  	v13 =	vld [tilespmem:s23+$0x18A80]  }
0x8d: {  	v14 =	vld [tilespmem:s23+$0x18A90]  }
0x8e: {  	v11 =	vld [tilespmem:s23+$0x18AA0]  }
0x8f: {  	v9 =	vld [tilespmem:s23+$0x18AB0]  }
0x90: {  	v10 =	vld [tilespmem:s23+$0x18AC0]  }
0x91: {  	v6 =	vadd.f32 v6, v12;
	v12 =	vld [tilespmem:s23+$0x18AD0]  }
0x92: {  	s21 =	simm.s32 $0x80;
	s22 =	simm.s32 $0x400;
	v7 =	vadd.f32 v13, v7;
	v8 =	vadd.f32 v14, v8;
	v13 =	vld [tilespmem:s23+$0x18AE0]  }
.LBB2_20:
0x93: {  	p0 =	sne.s32 s22, $0x6200;
	v14 =	vld [tilespmem:s21+$0x18AF0];
	v5 =	vadd.f32 v11, v5  }
0x94: {  	v15 =	vld [tilespmem:s21+$0x18A80];
	v3 =	vadd.f32 v9, v3  }
0x95: {  	v16 =	vld [tilespmem:s21+$0x18A90];
	v4 =	vadd.f32 v10, v4  }
.Ltmp9:
0x96: {  	v11 =	vld [tilespmem:s21+$0x18AA0];
	v1 =	vadd.f32 v12, v1;
	(pc) =	sbr.rel @p0 .LBB2_20-.Ltmp9, $4  }
0x97: {  	v9 =	vld [tilespmem:s21+$0x18AB0];
	v2 =	vadd.f32 v13, v2  }
0x98: {  	v10 =	vld [tilespmem:s21+$0x18AC0];
	v6 =	vadd.f32 v14, v6  }
0x99: {  	v7 =	vadd.f32 v15, v7;
	v12 =	vld [tilespmem:s21+$0x18AD0]  }
0x9a: {  	v8 =	vadd.f32 v16, v8;
	v13 =	vld [tilespmem:s21+$0x18AE0];
	s21 =	sshra.s32 s22, $0x2;
	s22 =	sadd.s32 $0x200, s22  }
0x9b: {  	v14 =	vld [tilespmem:s21+$0x18AF0]  }
0x9c: {  	v15 =	vld [tilespmem:s21+$0x18A80]  }
0x9d: {  	v16 =	vld [tilespmem:s21+$0x18A90]  }
0x9e: {  	v17 =	vld [tilespmem:s21+$0x18AA0]  }
0x9f: {  	v18 =	vld [tilespmem:s21+$0x18AB0]  }
0xa0: {  	v19 =	vld [tilespmem:s21+$0x18AC0]  }
0xa1: {  	v5 =	vadd.f32 v11, v5;
	v61 =	vld [tilespmem:s21+$0x18AD0]  }
0xa2: {  	v63 =	vld [tilespmem:s21+$0x18AE0];
	v3 =	vadd.f32 v9, v3;
	v62 =	vadd.f32 v10, v4  }
0xa3: {  	v1 =	vadd.f32 v12, v1;
	v12 =	vadd.f32 v13, v2  }
0xa4: {  	v2 =	vadd.f32 v14, v6;
	v13 =	vadd.f32 v15, v7  }
0xa5: {  	v7 =	vadd.f32 v16, v8;
	v6 =	vadd.f32 v17, v5  }
0xa6: {  	v4 =	vadd.f32 v18, v3;
	v5 =	vadd.f32 v19, v62  }
0xa7: {  	s21 =	simm.s32 $0x32;
	v3 =	vadd.f32 v61, v1;
	v1 =	vadd.f32 v63, v12  }
.LBB2_22:
0xa8: {  	p0 =	sne.s32 s21, $0x1  }
.Ltmp10:
0xa9: {  	_ = 	snop;
	(pc) =	sbr.rel @p0 .LBB2_22-.Ltmp10, $4  }
0xaa: {  	_ = 	snop  }
0xab: {  	_ =	swait.ge [sflag:s16], $0x80  }
0xac: {  	[sflag:s16] =	ssyncset.done $0x0  }
0xad: {  	s21 =	sadd.s32 $0xFFFFFFFF, s21;
	[sflag:s16] =	ssyncadd.s32 $0xFFFFFF80  }
0xae: {  	s23 =	simm.s32 $0x0  }
0xaf: {  	v8 =	vld [tilespmem:s23+$0x1A3F0]  }
0xb0: {  	v14 =	vld [tilespmem:s23+$0x1A380]  }
0xb1: {  	v15 =	vld [tilespmem:s23+$0x1A390]  }
0xb2: {  	v11 =	vld [tilespmem:s23+$0x1A3A0]  }
0xb3: {  	v9 =	vld [tilespmem:s23+$0x1A3B0]  }
0xb4: {  	v10 =	vld [tilespmem:s23+$0x1A3C0]  }
0xb5: {  	v12 =	vld [tilespmem:s23+$0x1A3D0];
	v2 =	vadd.f32 v8, v2  }
0xb6: {  	s21 =	simm.s32 $0x80;
	s22 =	simm.s32 $0x400;
	v8 =	vadd.f32 v14, v13;
	v7 =	vadd.f32 v15, v7;
	v13 =	vld [tilespmem:s23+$0x1A3E0]  }
.LBB2_24:
0xb7: {  	p0 =	sne.s32 s22, $0x6200;
	v14 =	vld [tilespmem:s21+$0x1A3F0];
	v6 =	vadd.f32 v11, v6  }
0xb8: {  	v15 =	vld [tilespmem:s21+$0x1A380];
	v4 =	vadd.f32 v9, v4  }
0xb9: {  	v16 =	vld [tilespmem:s21+$0x1A390];
	v5 =	vadd.f32 v10, v5  }
.Ltmp11:
0xba: {  	v11 =	vld [tilespmem:s21+$0x1A3A0];
	v3 =	vadd.f32 v12, v3;
	(pc) =	sbr.rel @p0 .LBB2_24-.Ltmp11, $4  }
0xbb: {  	v9 =	vld [tilespmem:s21+$0x1A3B0];
	v1 =	vadd.f32 v13, v1  }
0xbc: {  	v10 =	vld [tilespmem:s21+$0x1A3C0];
	v2 =	vadd.f32 v14, v2  }
0xbd: {  	v8 =	vadd.f32 v15, v8;
	v12 =	vld [tilespmem:s21+$0x1A3D0]  }
0xbe: {  	v7 =	vadd.f32 v16, v7;
	v13 =	vld [tilespmem:s21+$0x1A3E0];
	s21 =	sshra.s32 s22, $0x2;
	s22 =	sadd.s32 $0x200, s22  }
0xbf: {  	v14 =	vld [tilespmem:s21+$0x1A380]  }
0xc0: {  	v15 =	vld [tilespmem:s21+$0x1A390]  }
0xc1: {  	v16 =	vld [tilespmem:s21+$0x1A3A0]  }
0xc2: {  	v6 =	vadd.f32 v11, v6;
	v59 =	vld [tilespmem:s21+$0x1A3B0]  }
0xc3: {  	v60 =	vld [tilespmem:s21+$0x1A3C0];
	v4 =	vadd.f32 v9, v4;
	v5 =	vadd.f32 v10, v5  }
0xc4: {  	v61 =	vld [tilespmem:s21+$0x1A3D0];
	v0 =	vbroadcast v0, $0x0;
	v3 =	vadd.f32 v12, v3;
	v8 =	vadd.f32 v14, v8  }
0xc5: {  	v62 =	vld [tilespmem:s21+$0x1A3E0];
	v1 =	vadd.f32 v13, v1;
	v7 =	vadd.f32 v15, v7  }
0xc6: {  	v63 =	vld [tilespmem:s21+$0x1A3F0];
	v6 =	vadd.f32 v16, v6;
	v8 =	vadd.f32 v8, v0  }
0xc7: {  	v4 =	vadd.f32 v59, v4;
	v7 =	vadd.f32 v7, v0  }
0xc8: {  	v5 =	vadd.f32 v60, v5;
	v6 =	vadd.f32 v6, v0;
	[tilespmem:$0x1BC80] =	vst v8  }
0xc9: {  	v3 =	vadd.f32 v61, v3;
	v4 =	vadd.f32 v4, v0;
	[tilespmem:$0x1BC90] =	vst v7  }
0xca: {  	v1 =	vadd.f32 v62, v1;
	v5 =	vadd.f32 v5, v0;
	[tilespmem:$0x1BCA0] =	vst v6  }
0xcb: {  	v2 =	vadd.f32 v63, v2;
	v3 =	vadd.f32 v3, v0;
	[tilespmem:$0x1BCB0] =	vst v4  }
0xcc: {  	v1 =	vadd.f32 v1, v0;
	[tilespmem:$0x1BCC0] =	vst v5  }
0xcd: {  	s20 =	sadd.s32 $0x1, s20;
	v0 =	vadd.f32 v2, v0;
	[tilespmem:$0x1BCD0] =	vst v3  }
0xce: {  	p0 =	sne.s32 s20, s9;
	[tilespmem:$0x1BCE0] =	vst v1  }
.Ltmp12:
0xcf: {  	[tilespmem:$0x1BCF0] =	vst v0;
	(pc) =	sbr.rel @p0 .LBB2_1-.Ltmp12, $4  }
0xd0: {  	[hbm4b:s8+s3] =	stream.linear.scatter [tilespmem:s19], [sflag:$0x3], $0x80, $0x38;
	[tilespmem:$0x1BD80] =	vst v63  }
0xd1: {  	_ =	swait.ge [sflag:s12], $0x80  }
0xd2: {  	[sflag:s12] =	ssyncset.done $0x0  }
0xd3: {  	[sflag:s12] =	ssyncadd.s32 $0xFFFFFF80  }
0xd4: {  	_ =	sfence.sel $0x180000  }
0xd5: {  	[bflag:$0x0] =	sbarrier.arrive $0xFFFF  }
0xd6: {  	p0 =	sne.s32 s0, $0x0;
	_ =	strace $0x90000047  }
0xd7: {  	s0 =	sadd.s32 @!p0 $0x100000, s1;
	[bflag:$0x2] =	sbarrier.arrive $0xFFFF  }
0xd8: {  	[sflag:s0] =	ssyncadd.tile.s32 @!p0 $0x1;
	_ =	shalt  }
.Lfunc_end2:
_tile_overlayer_lowered:
.L_overlay_start_2:
0xd9: {  	(tag) =	ssettag $0x2  }
0xda: {  	s0 =	rddreg [dreg:$0x0];
	s2 =	stileid.u32  }
0xdb: {  	s1 =	rddreg [dreg:$0x1];
	p0 =	sne.s32 s2, $0x0  }
0xdc: {  	s3 =	rddreg [dreg:$0x2];
	[bflag:$0x3] =	sbarrier.arrive $0xFFFF;
	s2 =	simm.s32 @!p0 $0x1C03  }
0xdd: {  	[timem:s3], [sflag:s2] =	dma.local @!p0 [hbm:s0], s1  }
0xde: {  	s0 =	simm.s32 @!p0 $0x3  }
0xdf: {  	_ =	swait.ge @!p0 [sflag:s0], s1  }
0xe0: {  	s1 =	ssub.s32 @!p0 $0x0, s1;
	[sflag:s0] =	ssyncset.done @!p0 $0x0  }
0xe1: {  	[sflag:s0] =	ssyncadd.s32 @!p0 s1  }
0xe2: {  	[bflag:$0x3] =	sbarrier.arrive $0xFFFF  }
0xe3: {  	_ =	shalt  }

</sc_bundles>
